<compile_context>
chip_gen: v7x
topology: tpu7x:2x2x1
jax: 0.10.2.dev20260603
libtpu: 0.0.44.dev20260713+nightly
codegen_flags: <defaults>
</compile_context>

<pallas_src>
import jax
import jax.numpy as jnp
from jax.experimental import pallas as pl
from jax.experimental.pallas import tpu as pltpu

SCALE_ = 0.125
WS_ = 14
W2_ = WS_ * WS_
NWS_ = 16
HEADS_ = 4


def _fmt_body(x_ref, o_ref):
    xb = x_ref[0, 0].astype(jnp.bfloat16)
    for wj in range(NWS_):
        o_ref[0, 0, wj] = xb[:, WS_ * wj:WS_ * (wj + 1), :].reshape(W2_, 64)


def _attn_body(idx_ref, q_ref, *refs):
    k_refs = refs[0:8]
    v_refs = refs[8:16]
    o_ref = refs[16]
    for h in range(HEADS_):
        q = q_ref[h, 0, 0]
        k0 = k_refs[2 * h][0, 0, 0]
        k1 = k_refs[2 * h + 1][0, 0, 0]
        v0 = v_refs[2 * h][0, 0, 0]
        v1 = v_refs[2 * h + 1][0, 0, 0]
        s0 = jax.lax.dot_general(q, k0, (((1,), (1,)), ((), ())),
                                 preferred_element_type=jnp.float32) * SCALE_
        s1 = jax.lax.dot_general(q, k1, (((1,), (1,)), ((), ())),
                                 preferred_element_type=jnp.float32) * SCALE_
        m = jnp.maximum(jnp.max(s0, axis=-1, keepdims=True),
                        jnp.max(s1, axis=-1, keepdims=True))
        p0 = jnp.exp(s0 - m)
        p1 = jnp.exp(s1 - m)
        l = (jnp.sum(p0, axis=-1, keepdims=True)
             + jnp.sum(p1, axis=-1, keepdims=True))
        o = (jax.lax.dot_general(p0.astype(jnp.bfloat16), v0,
                                 (((1,), (0,)), ((), ())),
                                 preferred_element_type=jnp.float32)
             + jax.lax.dot_general(p1.astype(jnp.bfloat16), v1,
                                   (((1,), (0,)), ((), ())),
                                   preferred_element_type=jnp.float32))
        o_ref[h, 0, 0] = o / l


def _format(x, heads, nws, C):
    xv = x.reshape(heads, nws, WS_, nws * WS_, C)
    return pl.pallas_call(
        _fmt_body,
        grid=(heads, nws),
        in_specs=[pl.BlockSpec((1, 1, WS_, nws * WS_, C),
                               lambda h, wi: (h, wi, 0, 0, 0))],
        out_specs=pl.BlockSpec((1, 1, NWS_, W2_, C),
                               lambda h, wi: (h, wi, 0, 0, 0)),
        out_shape=jax.ShapeDtypeStruct((heads, nws, NWS_, W2_, C),
                                       jnp.bfloat16),
    )(xv)


def kernel(q, k, v, indices):
    B, heads, H, W, C = q.shape
    nws = H // WS_
    nw = nws * nws

    qf = _format(q, heads, nws, C)
    kf = _format(k, heads, nws, C)
    vf = _format(v, heads, nws, C)
    idx = indices.reshape(heads, nw, -1).astype(jnp.int32)

    def qmap(w, idx_ref):
        return (0, w // nws, w % nws, 0, 0)

    def gmap(h, t):
        def m(w, idx_ref):
            g = idx_ref[h, w, t]
            return (h, g // nws, g % nws, 0, 0)
        return m

    g_blk = (1, 1, 1, W2_, C)
    gspecs = [pl.BlockSpec(g_blk, gmap(h, t))
              for h in range(heads) for t in range(2)]
    grid_spec = pltpu.PrefetchScalarGridSpec(
        num_scalar_prefetch=1,
        grid=(nw,),
        in_specs=[pl.BlockSpec((heads, 1, 1, W2_, C), qmap)]
                 + gspecs + gspecs,
        out_specs=pl.BlockSpec((heads, 1, 1, W2_, C), qmap),
    )
    out = pl.pallas_call(
        _attn_body,
        grid_spec=grid_spec,
        out_shape=jax.ShapeDtypeStruct((heads, nws, nws, W2_, C),
                                       jnp.float32),
    )(idx, qf, *([kf] * 8), *([vf] * 8))

    x = out.reshape(heads, nws, nws, WS_, WS_, C)
    x = x.transpose(1, 3, 2, 4, 0, 5).reshape(B, H, W, heads * C)
    return x

# --- scband reference (transcript-rebuilt; emitter-appended) ---
"""Pipeline reference for scband-windows-sparse-attention-65893388255304 (READ-ONLY COPY).

The authoritative reference and input builder live on the scoring server;
editing this copy changes nothing except your own understanding.
"""

import jax, jax.numpy as jnp
import numpy as np

SCALE = 0.125
R = 14
HEADS = 4


def window_partition(x, ws):
    B, heads, H, W, C = x.shape
    x = x.reshape(B, heads, H // ws, ws, W // ws, ws, C)
    return jnp.transpose(x, (0, 1, 2, 4, 3, 5, 6)).reshape(B, heads, -1, ws, ws, C)


def kv_gather(kv, r_idx):
    # kv: (n, p2, w2, c), r_idx: (n, p2, topk) -> (n, p2, topk, w2, c)
    n = kv.shape[0]
    return kv[jnp.arange(n)[:, None, None], r_idx]


def combine_windows(windows, H, W):
    num_windows, B, w2, C = windows.shape
    ws = int(round(w2 ** 0.5))
    x = windows.reshape(num_windows, B, ws, ws, C)
    x = jnp.transpose(x, (1, 0, 2, 3, 4))
    x = x.reshape(B, H // ws, W // ws, ws, ws, C)
    x = jnp.transpose(x, (0, 1, 3, 2, 4, 5)).reshape(B, H, W, C)
    return x


def _forward(q, k, v, indices):
    ws = R
    heads = HEADS
    H = q.shape[2]
    Q = window_partition(q, ws)
    K = window_partition(k, ws)
    V = window_partition(v, ws)
    B = Q.shape[0]
    nw = Q.shape[2]
    C = Q.shape[-1]
    w2 = ws * ws
    Q = Q.reshape(B, heads, nw, w2, C)
    K = K.reshape(B, heads, nw, w2, C)
    V = V.reshape(B, heads, nw, w2, C)
    Qp = jnp.transpose(Q, (2, 0, 1, 3, 4)).reshape(nw * B, heads, w2, C)
    topk = indices.shape[-1]
    idx = indices.reshape(-1, nw, topk)
    Kg = kv_gather(K.reshape(-1, nw, w2, C), idx).reshape(B, heads, nw, topk * w2, C)
    Vg = kv_gather(V.reshape(-1, nw, w2, C), idx).reshape(B, heads, nw, topk * w2, C)
    Kp = jnp.transpose(Kg, (2, 0, 1, 3, 4)).reshape(nw * B, heads, topk * w2, C)
    Vp = jnp.transpose(Vg, (2, 0, 1, 3, 4)).reshape(nw * B, heads, topk * w2, C)
    attn = (Qp @ jnp.swapaxes(Kp, -2, -1)) * SCALE
    attn = jax.nn.softmax(attn, axis=-1)
    x = jnp.swapaxes(attn @ Vp, 1, 2).reshape(nw * B, w2, heads * C)
    out = x.reshape(nw, B, w2, heads * C)
    return combine_windows(out, H, H)


def setup_inputs(seed: int = 0) -> dict:
    key = jax.random.key(seed)
    k1, k2, k3, k4 = jax.random.split(key, 4)
    q = jax.random.normal(k1, (1, 4, 224, 224, 64), dtype=jnp.float32)
    k = jax.random.normal(k2, (1, 4, 224, 224, 64), dtype=jnp.float32)
    v = jax.random.normal(k3, (1, 4, 224, 224, 64), dtype=jnp.float32)
    indices = jax.random.randint(k4, (1, 4, 256, 2), 0, 256)
    return {"q": q, "k": k, "v": v, "indices": indices}


def reference(q, k, v, indices):
    return _forward(q, k, v, indices)

if __name__ == "__main__":
    import jax
    _d = setup_inputs()
    print(jax.jit(kernel)(*tuple(_d.values())))

</pallas_src>

<mosaic_0001>
module attributes {stable_mosaic.version = 14 : i64} {
  func.func @_fmt_body(%arg0: i32, %arg1: i32, %arg2: memref<1x1x14x224x64xf32, #tpu.memory_space<vmem>>, %arg3: memref<1x1x16x196x64xbf16, #tpu.memory_space<vmem>>) attributes {dimension_semantics = [#tpu.dimension_semantics<arbitrary>, #tpu.dimension_semantics<arbitrary>], iteration_bounds = array<i64: 4, 16>, scalar_prefetch = 0 : i64, scratch_operands = 0 : i64, tpu.core_type = #tpu.core_type<tc>, window_params = [{transform_indices = @transform_0, window_bounds = array<i64: 1, 1, 14, 224, 64>}, {transform_indices = @transform_1, window_bounds = array<i64: 1, 1, 16, 196, 64>}]} {
    %get3A = arith.constant 0 : index
    %get3A_0 = arith.constant 0 : index
    %get3A_1 = arith.constant 0 : index
    %get3A_2 = arith.constant 0 : index
    %get3A_3 = arith.constant 0 : index
    %get3A_4 = vector.load %arg2[%get3A, %get3A_0, %get3A_1, %get3A_2, %get3A_3] : memref<1x1x14x224x64xf32, #tpu.memory_space<vmem>>, vector<1x1x14x224x64xf32>
    %get3A_5 = vector.shape_cast %get3A_4 : vector<1x1x14x224x64xf32> to vector<14x224x64xf32>
    %convert_element_type3A = arith.truncf %get3A_5 : vector<14x224x64xf32> to vector<14x224x64xbf16>
    %slice3A = vector.extract_strided_slice %convert_element_type3A {offsets = [0, 0, 0], sizes = [14, 14, 64], strides = [1, 1, 1]} : vector<14x224x64xbf16> to vector<14x14x64xbf16>
    %reshape3A = vector.shape_cast %slice3A : vector<14x14x64xbf16> to vector<196x64xbf16>
    %swap3A = arith.constant 0 : index
    %swap3A_6 = arith.constant 0 : index
    %swap3A_7 = arith.constant 0 : index
    %swap3A_8 = arith.constant 0 : index
    %swap3A_9 = arith.constant 0 : index
    %swap3A_10 = vector.load %arg3[%swap3A, %swap3A_6, %swap3A_7, %swap3A_8, %swap3A_9] : memref<1x1x16x196x64xbf16, #tpu.memory_space<vmem>>, vector<1x1x1x196x64xbf16>
    %swap3A_11 = vector.shape_cast %swap3A_10 : vector<1x1x1x196x64xbf16> to vector<196x64xbf16>
    %swap3A_12 = vector.shape_cast %reshape3A : vector<196x64xbf16> to vector<1x1x1x196x64xbf16>
    tpu.vector_store %arg3[%swap3A, %swap3A_6, %swap3A_7, %swap3A_8, %swap3A_9], %swap3A_12 {strides = array<i32>} : memref<1x1x16x196x64xbf16, #tpu.memory_space<vmem>>, vector<1x1x1x196x64xbf16>,
    %slice3A_13 = vector.extract_strided_slice %convert_element_type3A {offsets = [0, 14, 0], sizes = [14, 14, 64], strides = [1, 1, 1]} : vector<14x224x64xbf16> to vector<14x14x64xbf16>
    %reshape3A_14 = vector.shape_cast %slice3A_13 : vector<14x14x64xbf16> to vector<196x64xbf16>
    %swap3A_15 = arith.constant 0 : index
    %swap3A_16 = arith.constant 0 : index
    %swap3A_17 = arith.constant 1 : index
    %swap3A_18 = arith.constant 0 : index
    %swap3A_19 = arith.constant 0 : index
    %swap3A_20 = vector.load %arg3[%swap3A_15, %swap3A_16, %swap3A_17, %swap3A_18, %swap3A_19] : memref<1x1x16x196x64xbf16, #tpu.memory_space<vmem>>, vector<1x1x1x196x64xbf16>
    %swap3A_21 = vector.shape_cast %swap3A_20 : vector<1x1x1x196x64xbf16> to vector<196x64xbf16>
    %swap3A_22 = vector.shape_cast %reshape3A_14 : vector<196x64xbf16> to vector<1x1x1x196x64xbf16>
    tpu.vector_store %arg3[%swap3A_15, %swap3A_16, %swap3A_17, %swap3A_18, %swap3A_19], %swap3A_22 {strides = array<i32>} : memref<1x1x16x196x64xbf16, #tpu.memory_space<vmem>>, vector<1x1x1x196x64xbf16>,
    %slice3A_23 = vector.extract_strided_slice %convert_element_type3A {offsets = [0, 28, 0], sizes = [14, 14, 64], strides = [1, 1, 1]} : vector<14x224x64xbf16> to vector<14x14x64xbf16>
    %reshape3A_24 = vector.shape_cast %slice3A_23 : vector<14x14x64xbf16> to vector<196x64xbf16>
    %swap3A_25 = arith.constant 0 : index
    %swap3A_26 = arith.constant 0 : index
    %swap3A_27 = arith.constant 2 : index
    %swap3A_28 = arith.constant 0 : index
    %swap3A_29 = arith.constant 0 : index
    %swap3A_30 = vector.load %arg3[%swap3A_25, %swap3A_26, %swap3A_27, %swap3A_28, %swap3A_29] : memref<1x1x16x196x64xbf16, #tpu.memory_space<vmem>>, vector<1x1x1x196x64xbf16>
    %swap3A_31 = vector.shape_cast %swap3A_30 : vector<1x1x1x196x64xbf16> to vector<196x64xbf16>
    %swap3A_32 = vector.shape_cast %reshape3A_24 : vector<196x64xbf16> to vector<1x1x1x196x64xbf16>
    tpu.vector_store %arg3[%swap3A_25, %swap3A_26, %swap3A_27, %swap3A_28, %swap3A_29], %swap3A_32 {strides = array<i32>} : memref<1x1x16x196x64xbf16, #tpu.memory_space<vmem>>, vector<1x1x1x196x64xbf16>,
    %slice3A_33 = vector.extract_strided_slice %convert_element_type3A {offsets = [0, 42, 0], sizes = [14, 14, 64], strides = [1, 1, 1]} : vector<14x224x64xbf16> to vector<14x14x64xbf16>
    %reshape3A_34 = vector.shape_cast %slice3A_33 : vector<14x14x64xbf16> to vector<196x64xbf16>
    %swap3A_35 = arith.constant 0 : index
    %swap3A_36 = arith.constant 0 : index
    %swap3A_37 = arith.constant 3 : index
    %swap3A_38 = arith.constant 0 : index
    %swap3A_39 = arith.constant 0 : index
    %swap3A_40 = vector.load %arg3[%swap3A_35, %swap3A_36, %swap3A_37, %swap3A_38, %swap3A_39] : memref<1x1x16x196x64xbf16, #tpu.memory_space<vmem>>, vector<1x1x1x196x64xbf16>
    %swap3A_41 = vector.shape_cast %swap3A_40 : vector<1x1x1x196x64xbf16> to vector<196x64xbf16>
    %swap3A_42 = vector.shape_cast %reshape3A_34 : vector<196x64xbf16> to vector<1x1x1x196x64xbf16>
    tpu.vector_store %arg3[%swap3A_35, %swap3A_36, %swap3A_37, %swap3A_38, %swap3A_39], %swap3A_42 {strides = array<i32>} : memref<1x1x16x196x64xbf16, #tpu.memory_space<vmem>>, vector<1x1x1x196x64xbf16>,
    %slice3A_43 = vector.extract_strided_slice %convert_element_type3A {offsets = [0, 56, 0], sizes = [14, 14, 64], strides = [1, 1, 1]} : vector<14x224x64xbf16> to vector<14x14x64xbf16>
    %reshape3A_44 = vector.shape_cast %slice3A_43 : vector<14x14x64xbf16> to vector<196x64xbf16>
    %swap3A_45 = arith.constant 0 : index
    %swap3A_46 = arith.constant 0 : index
    %swap3A_47 = arith.constant 4 : index
    %swap3A_48 = arith.constant 0 : index
    %swap3A_49 = arith.constant 0 : index
    %swap3A_50 = vector.load %arg3[%swap3A_45, %swap3A_46, %swap3A_47, %swap3A_48, %swap3A_49] : memref<1x1x16x196x64xbf16, #tpu.memory_space<vmem>>, vector<1x1x1x196x64xbf16>
    %swap3A_51 = vector.shape_cast %swap3A_50 : vector<1x1x1x196x64xbf16> to vector<196x64xbf16>
    %swap3A_52 = vector.shape_cast %reshape3A_44 : vector<196x64xbf16> to vector<1x1x1x196x64xbf16>
    tpu.vector_store %arg3[%swap3A_45, %swap3A_46, %swap3A_47, %swap3A_48, %swap3A_49], %swap3A_52 {strides = array<i32>} : memref<1x1x16x196x64xbf16, #tpu.memory_space<vmem>>, vector<1x1x1x196x64xbf16>,
    %slice3A_53 = vector.extract_strided_slice %convert_element_type3A {offsets = [0, 70, 0], sizes = [14, 14, 64], strides = [1, 1, 1]} : vector<14x224x64xbf16> to vector<14x14x64xbf16>
    %reshape3A_54 = vector.shape_cast %slice3A_53 : vector<14x14x64xbf16> to vector<196x64xbf16>
    %swap3A_55 = arith.constant 0 : index
    %swap3A_56 = arith.constant 0 : index
    %swap3A_57 = arith.constant 5 : index
    %swap3A_58 = arith.constant 0 : index
    %swap3A_59 = arith.constant 0 : index
    %swap3A_60 = vector.load %arg3[%swap3A_55, %swap3A_56, %swap3A_57, %swap3A_58, %swap3A_59] : memref<1x1x16x196x64xbf16, #tpu.memory_space<vmem>>, vector<1x1x1x196x64xbf16>
    %swap3A_61 = vector.shape_cast %swap3A_60 : vector<1x1x1x196x64xbf16> to vector<196x64xbf16>
    %swap3A_62 = vector.shape_cast %reshape3A_54 : vector<196x64xbf16> to vector<1x1x1x196x64xbf16>
    tpu.vector_store %arg3[%swap3A_55, %swap3A_56, %swap3A_57, %swap3A_58, %swap3A_59], %swap3A_62 {strides = array<i32>} : memref<1x1x16x196x64xbf16, #tpu.memory_space<vmem>>, vector<1x1x1x196x64xbf16>,
    %slice3A_63 = vector.extract_strided_slice %convert_element_type3A {offsets = [0, 84, 0], sizes = [14, 14, 64], strides = [1, 1, 1]} : vector<14x224x64xbf16> to vector<14x14x64xbf16>
    %reshape3A_64 = vector.shape_cast %slice3A_63 : vector<14x14x64xbf16> to vector<196x64xbf16>
    %swap3A_65 = arith.constant 0 : index
    %swap3A_66 = arith.constant 0 : index
    %swap3A_67 = arith.constant 6 : index
    %swap3A_68 = arith.constant 0 : index
    %swap3A_69 = arith.constant 0 : index
    %swap3A_70 = vector.load %arg3[%swap3A_65, %swap3A_66, %swap3A_67, %swap3A_68, %swap3A_69] : memref<1x1x16x196x64xbf16, #tpu.memory_space<vmem>>, vector<1x1x1x196x64xbf16>
    %swap3A_71 = vector.shape_cast %swap3A_70 : vector<1x1x1x196x64xbf16> to vector<196x64xbf16>
    %swap3A_72 = vector.shape_cast %reshape3A_64 : vector<196x64xbf16> to vector<1x1x1x196x64xbf16>
    tpu.vector_store %arg3[%swap3A_65, %swap3A_66, %swap3A_67, %swap3A_68, %swap3A_69], %swap3A_72 {strides = array<i32>} : memref<1x1x16x196x64xbf16, #tpu.memory_space<vmem>>, vector<1x1x1x196x64xbf16>,
    %slice3A_73 = vector.extract_strided_slice %convert_element_type3A {offsets = [0, 98, 0], sizes = [14, 14, 64], strides = [1, 1, 1]} : vector<14x224x64xbf16> to vector<14x14x64xbf16>
    %reshape3A_74 = vector.shape_cast %slice3A_73 : vector<14x14x64xbf16> to vector<196x64xbf16>
    %swap3A_75 = arith.constant 0 : index
    %swap3A_76 = arith.constant 0 : index
    %swap3A_77 = arith.constant 7 : index
    %swap3A_78 = arith.constant 0 : index
    %swap3A_79 = arith.constant 0 : index
    %swap3A_80 = vector.load %arg3[%swap3A_75, %swap3A_76, %swap3A_77, %swap3A_78, %swap3A_79] : memref<1x1x16x196x64xbf16, #tpu.memory_space<vmem>>, vector<1x1x1x196x64xbf16>
    %swap3A_81 = vector.shape_cast %swap3A_80 : vector<1x1x1x196x64xbf16> to vector<196x64xbf16>
    %swap3A_82 = vector.shape_cast %reshape3A_74 : vector<196x64xbf16> to vector<1x1x1x196x64xbf16>
    tpu.vector_store %arg3[%swap3A_75, %swap3A_76, %swap3A_77, %swap3A_78, %swap3A_79], %swap3A_82 {strides = array<i32>} : memref<1x1x16x196x64xbf16, #tpu.memory_space<vmem>>, vector<1x1x1x196x64xbf16>,
    %slice3A_83 = vector.extract_strided_slice %convert_element_type3A {offsets = [0, 112, 0], sizes = [14, 14, 64], strides = [1, 1, 1]} : vector<14x224x64xbf16> to vector<14x14x64xbf16>
    %reshape3A_84 = vector.shape_cast %slice3A_83 : vector<14x14x64xbf16> to vector<196x64xbf16>
    %swap3A_85 = arith.constant 0 : index
    %swap3A_86 = arith.constant 0 : index
    %swap3A_87 = arith.constant 8 : index
    %swap3A_88 = arith.constant 0 : index
    %swap3A_89 = arith.constant 0 : index
    %swap3A_90 = vector.load %arg3[%swap3A_85, %swap3A_86, %swap3A_87, %swap3A_88, %swap3A_89] : memref<1x1x16x196x64xbf16, #tpu.memory_space<vmem>>, vector<1x1x1x196x64xbf16>
    %swap3A_91 = vector.shape_cast %swap3A_90 : vector<1x1x1x196x64xbf16> to vector<196x64xbf16>
    %swap3A_92 = vector.shape_cast %reshape3A_84 : vector<196x64xbf16> to vector<1x1x1x196x64xbf16>
    tpu.vector_store %arg3[%swap3A_85, %swap3A_86, %swap3A_87, %swap3A_88, %swap3A_89], %swap3A_92 {strides = array<i32>} : memref<1x1x16x196x64xbf16, #tpu.memory_space<vmem>>, vector<1x1x1x196x64xbf16>,
    %slice3A_93 = vector.extract_strided_slice %convert_element_type3A {offsets = [0, 126, 0], sizes = [14, 14, 64], strides = [1, 1, 1]} : vector<14x224x64xbf16> to vector<14x14x64xbf16>
    %reshape3A_94 = vector.shape_cast %slice3A_93 : vector<14x14x64xbf16> to vector<196x64xbf16>
    %swap3A_95 = arith.constant 0 : index
    %swap3A_96 = arith.constant 0 : index
    %swap3A_97 = arith.constant 9 : index
    %swap3A_98 = arith.constant 0 : index
    %swap3A_99 = arith.constant 0 : index
    %swap3A_100 = vector.load %arg3[%swap3A_95, %swap3A_96, %swap3A_97, %swap3A_98, %swap3A_99] : memref<1x1x16x196x64xbf16, #tpu.memory_space<vmem>>, vector<1x1x1x196x64xbf16>
    %swap3A_101 = vector.shape_cast %swap3A_100 : vector<1x1x1x196x64xbf16> to vector<196x64xbf16>
    %swap3A_102 = vector.shape_cast %reshape3A_94 : vector<196x64xbf16> to vector<1x1x1x196x64xbf16>
    tpu.vector_store %arg3[%swap3A_95, %swap3A_96, %swap3A_97, %swap3A_98, %swap3A_99], %swap3A_102 {strides = array<i32>} : memref<1x1x16x196x64xbf16, #tpu.memory_space<vmem>>, vector<1x1x1x196x64xbf16>,
    %slice3A_103 = vector.extract_strided_slice %convert_element_type3A {offsets = [0, 140, 0], sizes = [14, 14, 64], strides = [1, 1, 1]} : vector<14x224x64xbf16> to vector<14x14x64xbf16>
    %reshape3A_104 = vector.shape_cast %slice3A_103 : vector<14x14x64xbf16> to vector<196x64xbf16>
    %swap3A_105 = arith.constant 0 : index
    %swap3A_106 = arith.constant 0 : index
    %swap3A_107 = arith.constant 10 : index
    %swap3A_108 = arith.constant 0 : index
    %swap3A_109 = arith.constant 0 : index
    %swap3A_110 = vector.load %arg3[%swap3A_105, %swap3A_106, %swap3A_107, %swap3A_108, %swap3A_109] : memref<1x1x16x196x64xbf16, #tpu.memory_space<vmem>>, vector<1x1x1x196x64xbf16>
    %swap3A_111 = vector.shape_cast %swap3A_110 : vector<1x1x1x196x64xbf16> to vector<196x64xbf16>
    %swap3A_112 = vector.shape_cast %reshape3A_104 : vector<196x64xbf16> to vector<1x1x1x196x64xbf16>
    tpu.vector_store %arg3[%swap3A_105, %swap3A_106, %swap3A_107, %swap3A_108, %swap3A_109], %swap3A_112 {strides = array<i32>} : memref<1x1x16x196x64xbf16, #tpu.memory_space<vmem>>, vector<1x1x1x196x64xbf16>,
    %slice3A_113 = vector.extract_strided_slice %convert_element_type3A {offsets = [0, 154, 0], sizes = [14, 14, 64], strides = [1, 1, 1]} : vector<14x224x64xbf16> to vector<14x14x64xbf16>
    %reshape3A_114 = vector.shape_cast %slice3A_113 : vector<14x14x64xbf16> to vector<196x64xbf16>
    %swap3A_115 = arith.constant 0 : index
    %swap3A_116 = arith.constant 0 : index
    %swap3A_117 = arith.constant 11 : index
    %swap3A_118 = arith.constant 0 : index
    %swap3A_119 = arith.constant 0 : index
    %swap3A_120 = vector.load %arg3[%swap3A_115, %swap3A_116, %swap3A_117, %swap3A_118, %swap3A_119] : memref<1x1x16x196x64xbf16, #tpu.memory_space<vmem>>, vector<1x1x1x196x64xbf16>
    %swap3A_121 = vector.shape_cast %swap3A_120 : vector<1x1x1x196x64xbf16> to vector<196x64xbf16>
    %swap3A_122 = vector.shape_cast %reshape3A_114 : vector<196x64xbf16> to vector<1x1x1x196x64xbf16>
    tpu.vector_store %arg3[%swap3A_115, %swap3A_116, %swap3A_117, %swap3A_118, %swap3A_119], %swap3A_122 {strides = array<i32>} : memref<1x1x16x196x64xbf16, #tpu.memory_space<vmem>>, vector<1x1x1x196x64xbf16>,
    %slice3A_123 = vector.extract_strided_slice %convert_element_type3A {offsets = [0, 168, 0], sizes = [14, 14, 64], strides = [1, 1, 1]} : vector<14x224x64xbf16> to vector<14x14x64xbf16>
    %reshape3A_124 = vector.shape_cast %slice3A_123 : vector<14x14x64xbf16> to vector<196x64xbf16>
    %swap3A_125 = arith.constant 0 : index
    %swap3A_126 = arith.constant 0 : index
    %swap3A_127 = arith.constant 12 : index
    %swap3A_128 = arith.constant 0 : index
    %swap3A_129 = arith.constant 0 : index
    %swap3A_130 = vector.load %arg3[%swap3A_125, %swap3A_126, %swap3A_127, %swap3A_128, %swap3A_129] : memref<1x1x16x196x64xbf16, #tpu.memory_space<vmem>>, vector<1x1x1x196x64xbf16>
    %swap3A_131 = vector.shape_cast %swap3A_130 : vector<1x1x1x196x64xbf16> to vector<196x64xbf16>
    %swap3A_132 = vector.shape_cast %reshape3A_124 : vector<196x64xbf16> to vector<1x1x1x196x64xbf16>
    tpu.vector_store %arg3[%swap3A_125, %swap3A_126, %swap3A_127, %swap3A_128, %swap3A_129], %swap3A_132 {strides = array<i32>} : memref<1x1x16x196x64xbf16, #tpu.memory_space<vmem>>, vector<1x1x1x196x64xbf16>,
    %slice3A_133 = vector.extract_strided_slice %convert_element_type3A {offsets = [0, 182, 0], sizes = [14, 14, 64], strides = [1, 1, 1]} : vector<14x224x64xbf16> to vector<14x14x64xbf16>
    %reshape3A_134 = vector.shape_cast %slice3A_133 : vector<14x14x64xbf16> to vector<196x64xbf16>
    %swap3A_135 = arith.constant 0 : index
    %swap3A_136 = arith.constant 0 : index
    %swap3A_137 = arith.constant 13 : index
    %swap3A_138 = arith.constant 0 : index
    %swap3A_139 = arith.constant 0 : index
    %swap3A_140 = vector.load %arg3[%swap3A_135, %swap3A_136, %swap3A_137, %swap3A_138, %swap3A_139] : memref<1x1x16x196x64xbf16, #tpu.memory_space<vmem>>, vector<1x1x1x196x64xbf16>
    %swap3A_141 = vector.shape_cast %swap3A_140 : vector<1x1x1x196x64xbf16> to vector<196x64xbf16>
    %swap3A_142 = vector.shape_cast %reshape3A_134 : vector<196x64xbf16> to vector<1x1x1x196x64xbf16>
    tpu.vector_store %arg3[%swap3A_135, %swap3A_136, %swap3A_137, %swap3A_138, %swap3A_139], %swap3A_142 {strides = array<i32>} : memref<1x1x16x196x64xbf16, #tpu.memory_space<vmem>>, vector<1x1x1x196x64xbf16>,
    %slice3A_143 = vector.extract_strided_slice %convert_element_type3A {offsets = [0, 196, 0], sizes = [14, 14, 64], strides = [1, 1, 1]} : vector<14x224x64xbf16> to vector<14x14x64xbf16>
    %reshape3A_144 = vector.shape_cast %slice3A_143 : vector<14x14x64xbf16> to vector<196x64xbf16>
    %swap3A_145 = arith.constant 0 : index
    %swap3A_146 = arith.constant 0 : index
    %swap3A_147 = arith.constant 14 : index
    %swap3A_148 = arith.constant 0 : index
    %swap3A_149 = arith.constant 0 : index
    %swap3A_150 = vector.load %arg3[%swap3A_145, %swap3A_146, %swap3A_147, %swap3A_148, %swap3A_149] : memref<1x1x16x196x64xbf16, #tpu.memory_space<vmem>>, vector<1x1x1x196x64xbf16>
    %swap3A_151 = vector.shape_cast %swap3A_150 : vector<1x1x1x196x64xbf16> to vector<196x64xbf16>
    %swap3A_152 = vector.shape_cast %reshape3A_144 : vector<196x64xbf16> to vector<1x1x1x196x64xbf16>
    tpu.vector_store %arg3[%swap3A_145, %swap3A_146, %swap3A_147, %swap3A_148, %swap3A_149], %swap3A_152 {strides = array<i32>} : memref<1x1x16x196x64xbf16, #tpu.memory_space<vmem>>, vector<1x1x1x196x64xbf16>,
    %slice3A_153 = vector.extract_strided_slice %convert_element_type3A {offsets = [0, 210, 0], sizes = [14, 14, 64], strides = [1, 1, 1]} : vector<14x224x64xbf16> to vector<14x14x64xbf16>
    %reshape3A_154 = vector.shape_cast %slice3A_153 : vector<14x14x64xbf16> to vector<196x64xbf16>
    %swap3A_155 = arith.constant 0 : index
    %swap3A_156 = arith.constant 0 : index
    %swap3A_157 = arith.constant 15 : index
    %swap3A_158 = arith.constant 0 : index
    %swap3A_159 = arith.constant 0 : index
    %swap3A_160 = vector.load %arg3[%swap3A_155, %swap3A_156, %swap3A_157, %swap3A_158, %swap3A_159] : memref<1x1x16x196x64xbf16, #tpu.memory_space<vmem>>, vector<1x1x1x196x64xbf16>
    %swap3A_161 = vector.shape_cast %swap3A_160 : vector<1x1x1x196x64xbf16> to vector<196x64xbf16>
    %swap3A_162 = vector.shape_cast %reshape3A_154 : vector<196x64xbf16> to vector<1x1x1x196x64xbf16>
    tpu.vector_store %arg3[%swap3A_155, %swap3A_156, %swap3A_157, %swap3A_158, %swap3A_159], %swap3A_162 {strides = array<i32>} : memref<1x1x16x196x64xbf16, #tpu.memory_space<vmem>>, vector<1x1x1x196x64xbf16>,
    return
  }
  func.func @transform_0(%arg0: i32, %arg1: i32) -> (i32, i32, i32, i32, i32) {
    %c0_i32 = arith.constant 0 : i32
    %c0_i32_0 = arith.constant 0 : i32
    %c0_i32_1 = arith.constant 0 : i32
    %c0_i32_2 = arith.constant 0 : i32
    return %arg0, %arg1, %c0_i32, %c0_i32_0, %c0_i32_1 : i32, i32, i32, i32, i32
  }
  func.func @transform_1(%arg0: i32, %arg1: i32) -> (i32, i32, i32, i32, i32) {
    %c0_i32 = arith.constant 0 : i32
    %c0_i32_0 = arith.constant 0 : i32
    %c0_i32_1 = arith.constant 0 : i32
    %c0_i32_2 = arith.constant 0 : i32
    return %arg0, %arg1, %c0_i32, %c0_i32_0, %c0_i32_1 : i32, i32, i32, i32, i32
  }
}

module attributes {stable_mosaic.version = 14 : i64} {
  func.func @_attn_body(%arg0: i32, %arg1: memref<4x256x2xi32, #tpu.memory_space<smem>>, %arg2: memref<4x1x1x196x64xbf16, #tpu.memory_space<vmem>>, %arg3: memref<1x1x1x196x64xbf16, #tpu.memory_space<vmem>>, %arg4: memref<1x1x1x196x64xbf16, #tpu.memory_space<vmem>>, %arg5: memref<1x1x1x196x64xbf16, #tpu.memory_space<vmem>>, %arg6: memref<1x1x1x196x64xbf16, #tpu.memory_space<vmem>>, %arg7: memref<1x1x1x196x64xbf16, #tpu.memory_space<vmem>>, %arg8: memref<1x1x1x196x64xbf16, #tpu.memory_space<vmem>>, %arg9: memref<1x1x1x196x64xbf16, #tpu.memory_space<vmem>>, %arg10: memref<1x1x1x196x64xbf16, #tpu.memory_space<vmem>>, %arg11: memref<1x1x1x196x64xbf16, #tpu.memory_space<vmem>>, %arg12: memref<1x1x1x196x64xbf16, #tpu.memory_space<vmem>>, %arg13: memref<1x1x1x196x64xbf16, #tpu.memory_space<vmem>>, %arg14: memref<1x1x1x196x64xbf16, #tpu.memory_space<vmem>>, %arg15: memref<1x1x1x196x64xbf16, #tpu.memory_space<vmem>>, %arg16: memref<1x1x1x196x64xbf16, #tpu.memory_space<vmem>>, %arg17: memref<1x1x1x196x64xbf16, #tpu.memory_space<vmem>>, %arg18: memref<1x1x1x196x64xbf16, #tpu.memory_space<vmem>>, %arg19: memref<4x1x1x196x64xf32, #tpu.memory_space<vmem>>) attributes {dimension_semantics = [#tpu.dimension_semantics<arbitrary>], iteration_bounds = array<i64: 256>, scalar_prefetch = 1 : i64, scratch_operands = 0 : i64, tpu.core_type = #tpu.core_type<tc>, window_params = [{transform_indices = @transform_0, window_bounds = array<i64: 4, 1, 1, 196, 64>}, {transform_indices = @transform_1, window_bounds = array<i64: 1, 1, 1, 196, 64>}, {transform_indices = @transform_2, window_bounds = array<i64: 1, 1, 1, 196, 64>}, {transform_indices = @transform_3, window_bounds = array<i64: 1, 1, 1, 196, 64>}, {transform_indices = @transform_4, window_bounds = array<i64: 1, 1, 1, 196, 64>}, {transform_indices = @transform_5, window_bounds = array<i64: 1, 1, 1, 196, 64>}, {transform_indices = @transform_6, window_bounds = array<i64: 1, 1, 1, 196, 64>}, {transform_indices = @transform_7, window_bounds = array<i64: 1, 1, 1, 196, 64>}, {transform_indices = @transform_8, window_bounds = array<i64: 1, 1, 1, 196, 64>}, {transform_indices = @transform_9, window_bounds = array<i64: 1, 1, 1, 196, 64>}, {transform_indices = @transform_10, window_bounds = array<i64: 1, 1, 1, 196, 64>}, {transform_indices = @transform_11, window_bounds = array<i64: 1, 1, 1, 196, 64>}, {transform_indices = @transform_12, window_bounds = array<i64: 1, 1, 1, 196, 64>}, {transform_indices = @transform_13, window_bounds = array<i64: 1, 1, 1, 196, 64>}, {transform_indices = @transform_14, window_bounds = array<i64: 1, 1, 1, 196, 64>}, {transform_indices = @transform_15, window_bounds = array<i64: 1, 1, 1, 196, 64>}, {transform_indices = @transform_16, window_bounds = array<i64: 1, 1, 1, 196, 64>}, {transform_indices = @transform_17, window_bounds = array<i64: 4, 1, 1, 196, 64>}]} {
    %get3A = arith.constant 0 : index
    %get3A_0 = arith.constant 0 : index
    %get3A_1 = arith.constant 0 : index
    %get3A_2 = arith.constant 0 : index
    %get3A_3 = arith.constant 0 : index
    %get3A_4 = vector.load %arg2[%get3A, %get3A_0, %get3A_1, %get3A_2, %get3A_3] : memref<4x1x1x196x64xbf16, #tpu.memory_space<vmem>>, vector<1x1x1x196x64xbf16>
    %get3A_5 = vector.shape_cast %get3A_4 : vector<1x1x1x196x64xbf16> to vector<196x64xbf16>
    %get3A_6 = arith.constant 0 : index
    %get3A_7 = arith.constant 0 : index
    %get3A_8 = arith.constant 0 : index
    %get3A_9 = arith.constant 0 : index
    %get3A_10 = arith.constant 0 : index
    %get3A_11 = vector.load %arg3[%get3A_6, %get3A_7, %get3A_8, %get3A_9, %get3A_10] : memref<1x1x1x196x64xbf16, #tpu.memory_space<vmem>>, vector<1x1x1x196x64xbf16>
    %get3A_12 = vector.shape_cast %get3A_11 : vector<1x1x1x196x64xbf16> to vector<196x64xbf16>
    %get3A_13 = arith.constant 0 : index
    %get3A_14 = arith.constant 0 : index
    %get3A_15 = arith.constant 0 : index
    %get3A_16 = arith.constant 0 : index
    %get3A_17 = arith.constant 0 : index
    %get3A_18 = vector.load %arg4[%get3A_13, %get3A_14, %get3A_15, %get3A_16, %get3A_17] : memref<1x1x1x196x64xbf16, #tpu.memory_space<vmem>>, vector<1x1x1x196x64xbf16>
    %get3A_19 = vector.shape_cast %get3A_18 : vector<1x1x1x196x64xbf16> to vector<196x64xbf16>
    %get3A_20 = arith.constant 0 : index
    %get3A_21 = arith.constant 0 : index
    %get3A_22 = arith.constant 0 : index
    %get3A_23 = arith.constant 0 : index
    %get3A_24 = arith.constant 0 : index
    %get3A_25 = vector.load %arg11[%get3A_20, %get3A_21, %get3A_22, %get3A_23, %get3A_24] : memref<1x1x1x196x64xbf16, #tpu.memory_space<vmem>>, vector<1x1x1x196x64xbf16>
    %get3A_26 = vector.shape_cast %get3A_25 : vector<1x1x1x196x64xbf16> to vector<196x64xbf16>
    %get3A_27 = arith.constant 0 : index
    %get3A_28 = arith.constant 0 : index
    %get3A_29 = arith.constant 0 : index
    %get3A_30 = arith.constant 0 : index
    %get3A_31 = arith.constant 0 : index
    %get3A_32 = vector.load %arg12[%get3A_27, %get3A_28, %get3A_29, %get3A_30, %get3A_31] : memref<1x1x1x196x64xbf16, #tpu.memory_space<vmem>>, vector<1x1x1x196x64xbf16>
    %get3A_33 = vector.shape_cast %get3A_32 : vector<1x1x1x196x64xbf16> to vector<196x64xbf16>
    %dot_general3A = arith.constant dense<0.000000e+00> : vector<196x196xf32>
    %dot_general3A_34 = tpu.matmul %get3A_5, %get3A_12, %dot_general3A {dimension_numbers = #tpu.dot_dimension_numbers<[1], [1], [0], [0], [0, 0, 1, 0], [], []>, transpose_lhs_hint = false} : vector<196x64xbf16>, vector<196x64xbf16>, vector<196x196xf32> -> vector<196x196xf32>
    %mul3A = arith.constant 1.250000e-01 : f32
    %mul3A_35 = vector.broadcast %mul3A : f32 to vector<196x196xf32>
    %mul3A_36 = arith.mulf %dot_general3A_34, %mul3A_35 : vector<196x196xf32>
    %dot_general3A_37 = arith.constant dense<0.000000e+00> : vector<196x196xf32>
    %dot_general3A_38 = tpu.matmul %get3A_5, %get3A_19, %dot_general3A_37 {dimension_numbers = #tpu.dot_dimension_numbers<[1], [1], [0], [0], [0, 0, 1, 0], [], []>, transpose_lhs_hint = false} : vector<196x64xbf16>, vector<196x64xbf16>, vector<196x196xf32> -> vector<196x196xf32>
    %mul3A_39 = arith.constant 1.250000e-01 : f32
    %mul3A_40 = vector.broadcast %mul3A_39 : f32 to vector<196x196xf32>
    %mul3A_41 = arith.mulf %dot_general3A_38, %mul3A_40 : vector<196x196xf32>
    %reduce_max3A = arith.constant dense<0xFF800000> : vector<196xf32>
    %reduce_max3A_42 = vector.multi_reduction <maximumf>, %mul3A_36, %reduce_max3A [1] : vector<196x196xf32> to vector<196xf32>
    %broadcast_in_dim3A = vector.shape_cast %reduce_max3A_42 : vector<196xf32> to vector<196x1xf32>
    %reduce_max3A_43 = arith.constant dense<0xFF800000> : vector<196xf32>
    %reduce_max3A_44 = vector.multi_reduction <maximumf>, %mul3A_41, %reduce_max3A_43 [1] : vector<196x196xf32> to vector<196xf32>
    %broadcast_in_dim3A_45 = vector.shape_cast %reduce_max3A_44 : vector<196xf32> to vector<196x1xf32>
    %max3A = arith.maximumf %broadcast_in_dim3A, %broadcast_in_dim3A_45 : vector<196x1xf32>
    %sub3A = vector.broadcast %max3A : vector<196x1xf32> to vector<196x196xf32>
    %sub3A_46 = arith.subf %mul3A_36, %sub3A : vector<196x196xf32>
    %exp3A = math.exp %sub3A_46 : vector<196x196xf32>
    %sub3A_47 = vector.broadcast %max3A : vector<196x1xf32> to vector<196x196xf32>
    %sub3A_48 = arith.subf %mul3A_41, %sub3A_47 : vector<196x196xf32>
    %exp3A_49 = math.exp %sub3A_48 : vector<196x196xf32>
    %reduce_sum3A = arith.constant dense<0.000000e+00> : vector<196xf32>
    %reduce_sum3A_50 = vector.multi_reduction <add>, %exp3A, %reduce_sum3A [1] : vector<196x196xf32> to vector<196xf32>
    %broadcast_in_dim3A_51 = vector.shape_cast %reduce_sum3A_50 : vector<196xf32> to vector<196x1xf32>
    %reduce_sum3A_52 = arith.constant dense<0.000000e+00> : vector<196xf32>
    %reduce_sum3A_53 = vector.multi_reduction <add>, %exp3A_49, %reduce_sum3A_52 [1] : vector<196x196xf32> to vector<196xf32>
    %broadcast_in_dim3A_54 = vector.shape_cast %reduce_sum3A_53 : vector<196xf32> to vector<196x1xf32>
    %add3A = arith.addf %broadcast_in_dim3A_51, %broadcast_in_dim3A_54 : vector<196x1xf32>
    %convert_element_type3A = arith.truncf %exp3A : vector<196x196xf32> to vector<196x196xbf16>
    %dot_general3A_55 = arith.constant dense<0.000000e+00> : vector<196x64xf32>
    %dot_general3A_56 = tpu.matmul %convert_element_type3A, %get3A_26, %dot_general3A_55 {dimension_numbers = #tpu.dot_dimension_numbers<[1], [0], [0], [1], [0, 0, 1, 1], [], []>, transpose_lhs_hint = false} : vector<196x196xbf16>, vector<196x64xbf16>, vector<196x64xf32> -> vector<196x64xf32>
    %convert_element_type3A_57 = arith.truncf %exp3A_49 : vector<196x196xf32> to vector<196x196xbf16>
    %dot_general3A_58 = arith.constant dense<0.000000e+00> : vector<196x64xf32>
    %dot_general3A_59 = tpu.matmul %convert_element_type3A_57, %get3A_33, %dot_general3A_58 {dimension_numbers = #tpu.dot_dimension_numbers<[1], [0], [0], [1], [0, 0, 1, 1], [], []>, transpose_lhs_hint = false} : vector<196x196xbf16>, vector<196x64xbf16>, vector<196x64xf32> -> vector<196x64xf32>
    %add3A_60 = arith.addf %dot_general3A_56, %dot_general3A_59 : vector<196x64xf32>
    %div3A = vector.broadcast %add3A : vector<196x1xf32> to vector<196x64xf32>
    %div3A_61 = arith.divf %add3A_60, %div3A : vector<196x64xf32>
    %swap3A = arith.constant 0 : index
    %swap3A_62 = arith.constant 0 : index
    %swap3A_63 = arith.constant 0 : index
    %swap3A_64 = arith.constant 0 : index
    %swap3A_65 = arith.constant 0 : index
    %swap3A_66 = vector.load %arg19[%swap3A, %swap3A_62, %swap3A_63, %swap3A_64, %swap3A_65] : memref<4x1x1x196x64xf32, #tpu.memory_space<vmem>>, vector<1x1x1x196x64xf32>
    %swap3A_67 = vector.shape_cast %swap3A_66 : vector<1x1x1x196x64xf32> to vector<196x64xf32>
    %swap3A_68 = vector.shape_cast %div3A_61 : vector<196x64xf32> to vector<1x1x1x196x64xf32>
    tpu.vector_store %arg19[%swap3A, %swap3A_62, %swap3A_63, %swap3A_64, %swap3A_65], %swap3A_68 {strides = array<i32>} : memref<4x1x1x196x64xf32, #tpu.memory_space<vmem>>, vector<1x1x1x196x64xf32>,
    %get3A_69 = arith.constant 1 : index
    %get3A_70 = arith.constant 0 : index
    %get3A_71 = arith.constant 0 : index
    %get3A_72 = arith.constant 0 : index
    %get3A_73 = arith.constant 0 : index
    %get3A_74 = vector.load %arg2[%get3A_69, %get3A_70, %get3A_71, %get3A_72, %get3A_73] : memref<4x1x1x196x64xbf16, #tpu.memory_space<vmem>>, vector<1x1x1x196x64xbf16>
    %get3A_75 = vector.shape_cast %get3A_74 : vector<1x1x1x196x64xbf16> to vector<196x64xbf16>
    %get3A_76 = arith.constant 0 : index
    %get3A_77 = arith.constant 0 : index
    %get3A_78 = arith.constant 0 : index
    %get3A_79 = arith.constant 0 : index
    %get3A_80 = arith.constant 0 : index
    %get3A_81 = vector.load %arg5[%get3A_76, %get3A_77, %get3A_78, %get3A_79, %get3A_80] : memref<1x1x1x196x64xbf16, #tpu.memory_space<vmem>>, vector<1x1x1x196x64xbf16>
    %get3A_82 = vector.shape_cast %get3A_81 : vector<1x1x1x196x64xbf16> to vector<196x64xbf16>
    %get3A_83 = arith.constant 0 : index
    %get3A_84 = arith.constant 0 : index
    %get3A_85 = arith.constant 0 : index
    %get3A_86 = arith.constant 0 : index
    %get3A_87 = arith.constant 0 : index
    %get3A_88 = vector.load %arg6[%get3A_83, %get3A_84, %get3A_85, %get3A_86, %get3A_87] : memref<1x1x1x196x64xbf16, #tpu.memory_space<vmem>>, vector<1x1x1x196x64xbf16>
    %get3A_89 = vector.shape_cast %get3A_88 : vector<1x1x1x196x64xbf16> to vector<196x64xbf16>
    %get3A_90 = arith.constant 0 : index
    %get3A_91 = arith.constant 0 : index
    %get3A_92 = arith.constant 0 : index
    %get3A_93 = arith.constant 0 : index
    %get3A_94 = arith.constant 0 : index
    %get3A_95 = vector.load %arg13[%get3A_90, %get3A_91, %get3A_92, %get3A_93, %get3A_94] : memref<1x1x1x196x64xbf16, #tpu.memory_space<vmem>>, vector<1x1x1x196x64xbf16>
    %get3A_96 = vector.shape_cast %get3A_95 : vector<1x1x1x196x64xbf16> to vector<196x64xbf16>
    %get3A_97 = arith.constant 0 : index
    %get3A_98 = arith.constant 0 : index
    %get3A_99 = arith.constant 0 : index
    %get3A_100 = arith.constant 0 : index
    %get3A_101 = arith.constant 0 : index
    %get3A_102 = vector.load %arg14[%get3A_97, %get3A_98, %get3A_99, %get3A_100, %get3A_101] : memref<1x1x1x196x64xbf16, #tpu.memory_space<vmem>>, vector<1x1x1x196x64xbf16>
    %get3A_103 = vector.shape_cast %get3A_102 : vector<1x1x1x196x64xbf16> to vector<196x64xbf16>
    %dot_general3A_104 = arith.constant dense<0.000000e+00> : vector<196x196xf32>
    %dot_general3A_105 = tpu.matmul %get3A_75, %get3A_82, %dot_general3A_104 {dimension_numbers = #tpu.dot_dimension_numbers<[1], [1], [0], [0], [0, 0, 1, 0], [], []>, transpose_lhs_hint = false} : vector<196x64xbf16>, vector<196x64xbf16>, vector<196x196xf32> -> vector<196x196xf32>
    %mul3A_106 = arith.constant 1.250000e-01 : f32
    %mul3A_107 = vector.broadcast %mul3A_106 : f32 to vector<196x196xf32>
    %mul3A_108 = arith.mulf %dot_general3A_105, %mul3A_107 : vector<196x196xf32>
    %dot_general3A_109 = arith.constant dense<0.000000e+00> : vector<196x196xf32>
    %dot_general3A_110 = tpu.matmul %get3A_75, %get3A_89, %dot_general3A_109 {dimension_numbers = #tpu.dot_dimension_numbers<[1], [1], [0], [0], [0, 0, 1, 0], [], []>, transpose_lhs_hint = false} : vector<196x64xbf16>, vector<196x64xbf16>, vector<196x196xf32> -> vector<196x196xf32>
    %mul3A_111 = arith.constant 1.250000e-01 : f32
    %mul3A_112 = vector.broadcast %mul3A_111 : f32 to vector<196x196xf32>
    %mul3A_113 = arith.mulf %dot_general3A_110, %mul3A_112 : vector<196x196xf32>
    %reduce_max3A_114 = arith.constant dense<0xFF800000> : vector<196xf32>
    %reduce_max3A_115 = vector.multi_reduction <maximumf>, %mul3A_108, %reduce_max3A_114 [1] : vector<196x196xf32> to vector<196xf32>
    %broadcast_in_dim3A_116 = vector.shape_cast %reduce_max3A_115 : vector<196xf32> to vector<196x1xf32>
    %reduce_max3A_117 = arith.constant dense<0xFF800000> : vector<196xf32>
    %reduce_max3A_118 = vector.multi_reduction <maximumf>, %mul3A_113, %reduce_max3A_117 [1] : vector<196x196xf32> to vector<196xf32>
    %broadcast_in_dim3A_119 = vector.shape_cast %reduce_max3A_118 : vector<196xf32> to vector<196x1xf32>
    %max3A_120 = arith.maximumf %broadcast_in_dim3A_116, %broadcast_in_dim3A_119 : vector<196x1xf32>
    %sub3A_121 = vector.broadcast %max3A_120 : vector<196x1xf32> to vector<196x196xf32>
    %sub3A_122 = arith.subf %mul3A_108, %sub3A_121 : vector<196x196xf32>
    %exp3A_123 = math.exp %sub3A_122 : vector<196x196xf32>
    %sub3A_124 = vector.broadcast %max3A_120 : vector<196x1xf32> to vector<196x196xf32>
    %sub3A_125 = arith.subf %mul3A_113, %sub3A_124 : vector<196x196xf32>
    %exp3A_126 = math.exp %sub3A_125 : vector<196x196xf32>
    %reduce_sum3A_127 = arith.constant dense<0.000000e+00> : vector<196xf32>
    %reduce_sum3A_128 = vector.multi_reduction <add>, %exp3A_123, %reduce_sum3A_127 [1] : vector<196x196xf32> to vector<196xf32>
    %broadcast_in_dim3A_129 = vector.shape_cast %reduce_sum3A_128 : vector<196xf32> to vector<196x1xf32>
    %reduce_sum3A_130 = arith.constant dense<0.000000e+00> : vector<196xf32>
    %reduce_sum3A_131 = vector.multi_reduction <add>, %exp3A_126, %reduce_sum3A_130 [1] : vector<196x196xf32> to vector<196xf32>
    %broadcast_in_dim3A_132 = vector.shape_cast %reduce_sum3A_131 : vector<196xf32> to vector<196x1xf32>
    %add3A_133 = arith.addf %broadcast_in_dim3A_129, %broadcast_in_dim3A_132 : vector<196x1xf32>
    %convert_element_type3A_134 = arith.truncf %exp3A_123 : vector<196x196xf32> to vector<196x196xbf16>
    %dot_general3A_135 = arith.constant dense<0.000000e+00> : vector<196x64xf32>
    %dot_general3A_136 = tpu.matmul %convert_element_type3A_134, %get3A_96, %dot_general3A_135 {dimension_numbers = #tpu.dot_dimension_numbers<[1], [0], [0], [1], [0, 0, 1, 1], [], []>, transpose_lhs_hint = false} : vector<196x196xbf16>, vector<196x64xbf16>, vector<196x64xf32> -> vector<196x64xf32>
    %convert_element_type3A_137 = arith.truncf %exp3A_126 : vector<196x196xf32> to vector<196x196xbf16>
    %dot_general3A_138 = arith.constant dense<0.000000e+00> : vector<196x64xf32>
    %dot_general3A_139 = tpu.matmul %convert_element_type3A_137, %get3A_103, %dot_general3A_138 {dimension_numbers = #tpu.dot_dimension_numbers<[1], [0], [0], [1], [0, 0, 1, 1], [], []>, transpose_lhs_hint = false} : vector<196x196xbf16>, vector<196x64xbf16>, vector<196x64xf32> -> vector<196x64xf32>
    %add3A_140 = arith.addf %dot_general3A_136, %dot_general3A_139 : vector<196x64xf32>
    %div3A_141 = vector.broadcast %add3A_133 : vector<196x1xf32> to vector<196x64xf32>
    %div3A_142 = arith.divf %add3A_140, %div3A_141 : vector<196x64xf32>
    %swap3A_143 = arith.constant 1 : index
    %swap3A_144 = arith.constant 0 : index
    %swap3A_145 = arith.constant 0 : index
    %swap3A_146 = arith.constant 0 : index
    %swap3A_147 = arith.constant 0 : index
    %swap3A_148 = vector.load %arg19[%swap3A_143, %swap3A_144, %swap3A_145, %swap3A_146, %swap3A_147] : memref<4x1x1x196x64xf32, #tpu.memory_space<vmem>>, vector<1x1x1x196x64xf32>
    %swap3A_149 = vector.shape_cast %swap3A_148 : vector<1x1x1x196x64xf32> to vector<196x64xf32>
    %swap3A_150 = vector.shape_cast %div3A_142 : vector<196x64xf32> to vector<1x1x1x196x64xf32>
    tpu.vector_store %arg19[%swap3A_143, %swap3A_144, %swap3A_145, %swap3A_146, %swap3A_147], %swap3A_150 {strides = array<i32>} : memref<4x1x1x196x64xf32, #tpu.memory_space<vmem>>, vector<1x1x1x196x64xf32>,
    %get3A_151 = arith.constant 2 : index
    %get3A_152 = arith.constant 0 : index
    %get3A_153 = arith.constant 0 : index
    %get3A_154 = arith.constant 0 : index
    %get3A_155 = arith.constant 0 : index
    %get3A_156 = vector.load %arg2[%get3A_151, %get3A_152, %get3A_153, %get3A_154, %get3A_155] : memref<4x1x1x196x64xbf16, #tpu.memory_space<vmem>>, vector<1x1x1x196x64xbf16>
    %get3A_157 = vector.shape_cast %get3A_156 : vector<1x1x1x196x64xbf16> to vector<196x64xbf16>
    %get3A_158 = arith.constant 0 : index
    %get3A_159 = arith.constant 0 : index
    %get3A_160 = arith.constant 0 : index
    %get3A_161 = arith.constant 0 : index
    %get3A_162 = arith.constant 0 : index
    %get3A_163 = vector.load %arg7[%get3A_158, %get3A_159, %get3A_160, %get3A_161, %get3A_162] : memref<1x1x1x196x64xbf16, #tpu.memory_space<vmem>>, vector<1x1x1x196x64xbf16>
    %get3A_164 = vector.shape_cast %get3A_163 : vector<1x1x1x196x64xbf16> to vector<196x64xbf16>
    %get3A_165 = arith.constant 0 : index
    %get3A_166 = arith.constant 0 : index
    %get3A_167 = arith.constant 0 : index
    %get3A_168 = arith.constant 0 : index
    %get3A_169 = arith.constant 0 : index
    %get3A_170 = vector.load %arg8[%get3A_165, %get3A_166, %get3A_167, %get3A_168, %get3A_169] : memref<1x1x1x196x64xbf16, #tpu.memory_space<vmem>>, vector<1x1x1x196x64xbf16>
    %get3A_171 = vector.shape_cast %get3A_170 : vector<1x1x1x196x64xbf16> to vector<196x64xbf16>
    %get3A_172 = arith.constant 0 : index
    %get3A_173 = arith.constant 0 : index
    %get3A_174 = arith.constant 0 : index
    %get3A_175 = arith.constant 0 : index
    %get3A_176 = arith.constant 0 : index
    %get3A_177 = vector.load %arg15[%get3A_172, %get3A_173, %get3A_174, %get3A_175, %get3A_176] : memref<1x1x1x196x64xbf16, #tpu.memory_space<vmem>>, vector<1x1x1x196x64xbf16>
    %get3A_178 = vector.shape_cast %get3A_177 : vector<1x1x1x196x64xbf16> to vector<196x64xbf16>
    %get3A_179 = arith.constant 0 : index
    %get3A_180 = arith.constant 0 : index
    %get3A_181 = arith.constant 0 : index
    %get3A_182 = arith.constant 0 : index
    %get3A_183 = arith.constant 0 : index
    %get3A_184 = vector.load %arg16[%get3A_179, %get3A_180, %get3A_181, %get3A_182, %get3A_183] : memref<1x1x1x196x64xbf16, #tpu.memory_space<vmem>>, vector<1x1x1x196x64xbf16>
    %get3A_185 = vector.shape_cast %get3A_184 : vector<1x1x1x196x64xbf16> to vector<196x64xbf16>
    %dot_general3A_186 = arith.constant dense<0.000000e+00> : vector<196x196xf32>
    %dot_general3A_187 = tpu.matmul %get3A_157, %get3A_164, %dot_general3A_186 {dimension_numbers = #tpu.dot_dimension_numbers<[1], [1], [0], [0], [0, 0, 1, 0], [], []>, transpose_lhs_hint = false} : vector<196x64xbf16>, vector<196x64xbf16>, vector<196x196xf32> -> vector<196x196xf32>
    %mul3A_188 = arith.constant 1.250000e-01 : f32
    %mul3A_189 = vector.broadcast %mul3A_188 : f32 to vector<196x196xf32>
    %mul3A_190 = arith.mulf %dot_general3A_187, %mul3A_189 : vector<196x196xf32>
    %dot_general3A_191 = arith.constant dense<0.000000e+00> : vector<196x196xf32>
    %dot_general3A_192 = tpu.matmul %get3A_157, %get3A_171, %dot_general3A_191 {dimension_numbers = #tpu.dot_dimension_numbers<[1], [1], [0], [0], [0, 0, 1, 0], [], []>, transpose_lhs_hint = false} : vector<196x64xbf16>, vector<196x64xbf16>, vector<196x196xf32> -> vector<196x196xf32>
    %mul3A_193 = arith.constant 1.250000e-01 : f32
    %mul3A_194 = vector.broadcast %mul3A_193 : f32 to vector<196x196xf32>
    %mul3A_195 = arith.mulf %dot_general3A_192, %mul3A_194 : vector<196x196xf32>
    %reduce_max3A_196 = arith.constant dense<0xFF800000> : vector<196xf32>
    %reduce_max3A_197 = vector.multi_reduction <maximumf>, %mul3A_190, %reduce_max3A_196 [1] : vector<196x196xf32> to vector<196xf32>
    %broadcast_in_dim3A_198 = vector.shape_cast %reduce_max3A_197 : vector<196xf32> to vector<196x1xf32>
    %reduce_max3A_199 = arith.constant dense<0xFF800000> : vector<196xf32>
    %reduce_max3A_200 = vector.multi_reduction <maximumf>, %mul3A_195, %reduce_max3A_199 [1] : vector<196x196xf32> to vector<196xf32>
    %broadcast_in_dim3A_201 = vector.shape_cast %reduce_max3A_200 : vector<196xf32> to vector<196x1xf32>
    %max3A_202 = arith.maximumf %broadcast_in_dim3A_198, %broadcast_in_dim3A_201 : vector<196x1xf32>
    %sub3A_203 = vector.broadcast %max3A_202 : vector<196x1xf32> to vector<196x196xf32>
    %sub3A_204 = arith.subf %mul3A_190, %sub3A_203 : vector<196x196xf32>
    %exp3A_205 = math.exp %sub3A_204 : vector<196x196xf32>
    %sub3A_206 = vector.broadcast %max3A_202 : vector<196x1xf32> to vector<196x196xf32>
    %sub3A_207 = arith.subf %mul3A_195, %sub3A_206 : vector<196x196xf32>
    %exp3A_208 = math.exp %sub3A_207 : vector<196x196xf32>
    %reduce_sum3A_209 = arith.constant dense<0.000000e+00> : vector<196xf32>
    %reduce_sum3A_210 = vector.multi_reduction <add>, %exp3A_205, %reduce_sum3A_209 [1] : vector<196x196xf32> to vector<196xf32>
    %broadcast_in_dim3A_211 = vector.shape_cast %reduce_sum3A_210 : vector<196xf32> to vector<196x1xf32>
    %reduce_sum3A_212 = arith.constant dense<0.000000e+00> : vector<196xf32>
    %reduce_sum3A_213 = vector.multi_reduction <add>, %exp3A_208, %reduce_sum3A_212 [1] : vector<196x196xf32> to vector<196xf32>
    %broadcast_in_dim3A_214 = vector.shape_cast %reduce_sum3A_213 : vector<196xf32> to vector<196x1xf32>
    %add3A_215 = arith.addf %broadcast_in_dim3A_211, %broadcast_in_dim3A_214 : vector<196x1xf32>
    %convert_element_type3A_216 = arith.truncf %exp3A_205 : vector<196x196xf32> to vector<196x196xbf16>
    %dot_general3A_217 = arith.constant dense<0.000000e+00> : vector<196x64xf32>
    %dot_general3A_218 = tpu.matmul %convert_element_type3A_216, %get3A_178, %dot_general3A_217 {dimension_numbers = #tpu.dot_dimension_numbers<[1], [0], [0], [1], [0, 0, 1, 1], [], []>, transpose_lhs_hint = false} : vector<196x196xbf16>, vector<196x64xbf16>, vector<196x64xf32> -> vector<196x64xf32>
    %convert_element_type3A_219 = arith.truncf %exp3A_208 : vector<196x196xf32> to vector<196x196xbf16>
    %dot_general3A_220 = arith.constant dense<0.000000e+00> : vector<196x64xf32>
    %dot_general3A_221 = tpu.matmul %convert_element_type3A_219, %get3A_185, %dot_general3A_220 {dimension_numbers = #tpu.dot_dimension_numbers<[1], [0], [0], [1], [0, 0, 1, 1], [], []>, transpose_lhs_hint = false} : vector<196x196xbf16>, vector<196x64xbf16>, vector<196x64xf32> -> vector<196x64xf32>
    %add3A_222 = arith.addf %dot_general3A_218, %dot_general3A_221 : vector<196x64xf32>
    %div3A_223 = vector.broadcast %add3A_215 : vector<196x1xf32> to vector<196x64xf32>
    %div3A_224 = arith.divf %add3A_222, %div3A_223 : vector<196x64xf32>
    %swap3A_225 = arith.constant 2 : index
    %swap3A_226 = arith.constant 0 : index
    %swap3A_227 = arith.constant 0 : index
    %swap3A_228 = arith.constant 0 : index
    %swap3A_229 = arith.constant 0 : index
    %swap3A_230 = vector.load %arg19[%swap3A_225, %swap3A_226, %swap3A_227, %swap3A_228, %swap3A_229] : memref<4x1x1x196x64xf32, #tpu.memory_space<vmem>>, vector<1x1x1x196x64xf32>
    %swap3A_231 = vector.shape_cast %swap3A_230 : vector<1x1x1x196x64xf32> to vector<196x64xf32>
    %swap3A_232 = vector.shape_cast %div3A_224 : vector<196x64xf32> to vector<1x1x1x196x64xf32>
    tpu.vector_store %arg19[%swap3A_225, %swap3A_226, %swap3A_227, %swap3A_228, %swap3A_229], %swap3A_232 {strides = array<i32>} : memref<4x1x1x196x64xf32, #tpu.memory_space<vmem>>, vector<1x1x1x196x64xf32>,
    %get3A_233 = arith.constant 3 : index
    %get3A_234 = arith.constant 0 : index
    %get3A_235 = arith.constant 0 : index
    %get3A_236 = arith.constant 0 : index
    %get3A_237 = arith.constant 0 : index
    %get3A_238 = vector.load %arg2[%get3A_233, %get3A_234, %get3A_235, %get3A_236, %get3A_237] : memref<4x1x1x196x64xbf16, #tpu.memory_space<vmem>>, vector<1x1x1x196x64xbf16>
    %get3A_239 = vector.shape_cast %get3A_238 : vector<1x1x1x196x64xbf16> to vector<196x64xbf16>
    %get3A_240 = arith.constant 0 : index
    %get3A_241 = arith.constant 0 : index
    %get3A_242 = arith.constant 0 : index
    %get3A_243 = arith.constant 0 : index
    %get3A_244 = arith.constant 0 : index
    %get3A_245 = vector.load %arg9[%get3A_240, %get3A_241, %get3A_242, %get3A_243, %get3A_244] : memref<1x1x1x196x64xbf16, #tpu.memory_space<vmem>>, vector<1x1x1x196x64xbf16>
    %get3A_246 = vector.shape_cast %get3A_245 : vector<1x1x1x196x64xbf16> to vector<196x64xbf16>
    %get3A_247 = arith.constant 0 : index
    %get3A_248 = arith.constant 0 : index
    %get3A_249 = arith.constant 0 : index
    %get3A_250 = arith.constant 0 : index
    %get3A_251 = arith.constant 0 : index
    %get3A_252 = vector.load %arg10[%get3A_247, %get3A_248, %get3A_249, %get3A_250, %get3A_251] : memref<1x1x1x196x64xbf16, #tpu.memory_space<vmem>>, vector<1x1x1x196x64xbf16>
    %get3A_253 = vector.shape_cast %get3A_252 : vector<1x1x1x196x64xbf16> to vector<196x64xbf16>
    %get3A_254 = arith.constant 0 : index
    %get3A_255 = arith.constant 0 : index
    %get3A_256 = arith.constant 0 : index
    %get3A_257 = arith.constant 0 : index
    %get3A_258 = arith.constant 0 : index
    %get3A_259 = vector.load %arg17[%get3A_254, %get3A_255, %get3A_256, %get3A_257, %get3A_258] : memref<1x1x1x196x64xbf16, #tpu.memory_space<vmem>>, vector<1x1x1x196x64xbf16>
    %get3A_260 = vector.shape_cast %get3A_259 : vector<1x1x1x196x64xbf16> to vector<196x64xbf16>
    %get3A_261 = arith.constant 0 : index
    %get3A_262 = arith.constant 0 : index
    %get3A_263 = arith.constant 0 : index
    %get3A_264 = arith.constant 0 : index
    %get3A_265 = arith.constant 0 : index
    %get3A_266 = vector.load %arg18[%get3A_261, %get3A_262, %get3A_263, %get3A_264, %get3A_265] : memref<1x1x1x196x64xbf16, #tpu.memory_space<vmem>>, vector<1x1x1x196x64xbf16>
    %get3A_267 = vector.shape_cast %get3A_266 : vector<1x1x1x196x64xbf16> to vector<196x64xbf16>
    %dot_general3A_268 = arith.constant dense<0.000000e+00> : vector<196x196xf32>
    %dot_general3A_269 = tpu.matmul %get3A_239, %get3A_246, %dot_general3A_268 {dimension_numbers = #tpu.dot_dimension_numbers<[1], [1], [0], [0], [0, 0, 1, 0], [], []>, transpose_lhs_hint = false} : vector<196x64xbf16>, vector<196x64xbf16>, vector<196x196xf32> -> vector<196x196xf32>
    %mul3A_270 = arith.constant 1.250000e-01 : f32
    %mul3A_271 = vector.broadcast %mul3A_270 : f32 to vector<196x196xf32>
    %mul3A_272 = arith.mulf %dot_general3A_269, %mul3A_271 : vector<196x196xf32>
    %dot_general3A_273 = arith.constant dense<0.000000e+00> : vector<196x196xf32>
    %dot_general3A_274 = tpu.matmul %get3A_239, %get3A_253, %dot_general3A_273 {dimension_numbers = #tpu.dot_dimension_numbers<[1], [1], [0], [0], [0, 0, 1, 0], [], []>, transpose_lhs_hint = false} : vector<196x64xbf16>, vector<196x64xbf16>, vector<196x196xf32> -> vector<196x196xf32>
    %mul3A_275 = arith.constant 1.250000e-01 : f32
    %mul3A_276 = vector.broadcast %mul3A_275 : f32 to vector<196x196xf32>
    %mul3A_277 = arith.mulf %dot_general3A_274, %mul3A_276 : vector<196x196xf32>
    %reduce_max3A_278 = arith.constant dense<0xFF800000> : vector<196xf32>
    %reduce_max3A_279 = vector.multi_reduction <maximumf>, %mul3A_272, %reduce_max3A_278 [1] : vector<196x196xf32> to vector<196xf32>
    %broadcast_in_dim3A_280 = vector.shape_cast %reduce_max3A_279 : vector<196xf32> to vector<196x1xf32>
    %reduce_max3A_281 = arith.constant dense<0xFF800000> : vector<196xf32>
    %reduce_max3A_282 = vector.multi_reduction <maximumf>, %mul3A_277, %reduce_max3A_281 [1] : vector<196x196xf32> to vector<196xf32>
    %broadcast_in_dim3A_283 = vector.shape_cast %reduce_max3A_282 : vector<196xf32> to vector<196x1xf32>
    %max3A_284 = arith.maximumf %broadcast_in_dim3A_280, %broadcast_in_dim3A_283 : vector<196x1xf32>
    %sub3A_285 = vector.broadcast %max3A_284 : vector<196x1xf32> to vector<196x196xf32>
    %sub3A_286 = arith.subf %mul3A_272, %sub3A_285 : vector<196x196xf32>
    %exp3A_287 = math.exp %sub3A_286 : vector<196x196xf32>
    %sub3A_288 = vector.broadcast %max3A_284 : vector<196x1xf32> to vector<196x196xf32>
    %sub3A_289 = arith.subf %mul3A_277, %sub3A_288 : vector<196x196xf32>
    %exp3A_290 = math.exp %sub3A_289 : vector<196x196xf32>
    %reduce_sum3A_291 = arith.constant dense<0.000000e+00> : vector<196xf32>
    %reduce_sum3A_292 = vector.multi_reduction <add>, %exp3A_287, %reduce_sum3A_291 [1] : vector<196x196xf32> to vector<196xf32>
    %broadcast_in_dim3A_293 = vector.shape_cast %reduce_sum3A_292 : vector<196xf32> to vector<196x1xf32>
    %reduce_sum3A_294 = arith.constant dense<0.000000e+00> : vector<196xf32>
    %reduce_sum3A_295 = vector.multi_reduction <add>, %exp3A_290, %reduce_sum3A_294 [1] : vector<196x196xf32> to vector<196xf32>
    %broadcast_in_dim3A_296 = vector.shape_cast %reduce_sum3A_295 : vector<196xf32> to vector<196x1xf32>
    %add3A_297 = arith.addf %broadcast_in_dim3A_293, %broadcast_in_dim3A_296 : vector<196x1xf32>
    %convert_element_type3A_298 = arith.truncf %exp3A_287 : vector<196x196xf32> to vector<196x196xbf16>
    %dot_general3A_299 = arith.constant dense<0.000000e+00> : vector<196x64xf32>
    %dot_general3A_300 = tpu.matmul %convert_element_type3A_298, %get3A_260, %dot_general3A_299 {dimension_numbers = #tpu.dot_dimension_numbers<[1], [0], [0], [1], [0, 0, 1, 1], [], []>, transpose_lhs_hint = false} : vector<196x196xbf16>, vector<196x64xbf16>, vector<196x64xf32> -> vector<196x64xf32>
    %convert_element_type3A_301 = arith.truncf %exp3A_290 : vector<196x196xf32> to vector<196x196xbf16>
    %dot_general3A_302 = arith.constant dense<0.000000e+00> : vector<196x64xf32>
    %dot_general3A_303 = tpu.matmul %convert_element_type3A_301, %get3A_267, %dot_general3A_302 {dimension_numbers = #tpu.dot_dimension_numbers<[1], [0], [0], [1], [0, 0, 1, 1], [], []>, transpose_lhs_hint = false} : vector<196x196xbf16>, vector<196x64xbf16>, vector<196x64xf32> -> vector<196x64xf32>
    %add3A_304 = arith.addf %dot_general3A_300, %dot_general3A_303 : vector<196x64xf32>
    %div3A_305 = vector.broadcast %add3A_297 : vector<196x1xf32> to vector<196x64xf32>
    %div3A_306 = arith.divf %add3A_304, %div3A_305 : vector<196x64xf32>
    %swap3A_307 = arith.constant 3 : index
    %swap3A_308 = arith.constant 0 : index
    %swap3A_309 = arith.constant 0 : index
    %swap3A_310 = arith.constant 0 : index
    %swap3A_311 = arith.constant 0 : index
    %swap3A_312 = vector.load %arg19[%swap3A_307, %swap3A_308, %swap3A_309, %swap3A_310, %swap3A_311] : memref<4x1x1x196x64xf32, #tpu.memory_space<vmem>>, vector<1x1x1x196x64xf32>
    %swap3A_313 = vector.shape_cast %swap3A_312 : vector<1x1x1x196x64xf32> to vector<196x64xf32>
    %swap3A_314 = vector.shape_cast %div3A_306 : vector<196x64xf32> to vector<1x1x1x196x64xf32>
    tpu.vector_store %arg19[%swap3A_307, %swap3A_308, %swap3A_309, %swap3A_310, %swap3A_311], %swap3A_314 {strides = array<i32>} : memref<4x1x1x196x64xf32, #tpu.memory_space<vmem>>, vector<1x1x1x196x64xf32>,
    return
  }
  func.func @transform_0(%arg0: i32, %arg1: memref<4x256x2xi32, #tpu.memory_space<smem>>) -> (i32, i32, i32, i32, i32) {
    %jit3A = arith.constant 16 : i32
    %div3A = arith.divsi %arg0, %jit3A : i32
    %sign3A = arith.constant 0 : i32
    %sign3A_0 = arith.cmpi sgt, %arg0, %sign3A : i32
    %sign3A_1 = arith.extui %sign3A_0 : i1 to i32
    %sign3A_2 = arith.constant 0 : i32
    %sign3A_3 = arith.cmpi slt, %arg0, %sign3A_2 : i32
    %sign3A_4 = arith.extui %sign3A_3 : i1 to i32
    %sign3A_5 = arith.subi %sign3A_1, %sign3A_4 : i32
    %sign3A_6 = arith.constant 0 : i32
    %sign3A_7 = arith.cmpi sgt, %jit3A, %sign3A_6 : i32
    %sign3A_8 = arith.extui %sign3A_7 : i1 to i32
    %sign3A_9 = arith.constant 0 : i32
    %sign3A_10 = arith.cmpi slt, %jit3A, %sign3A_9 : i32
    %sign3A_11 = arith.extui %sign3A_10 : i1 to i32
    %sign3A_12 = arith.subi %sign3A_8, %sign3A_11 : i32
    %ne3A = arith.cmpi ne, %sign3A_5, %sign3A_12 : i32
    %rem3A = arith.remsi %arg0, %jit3A : i32
    %ne3A_13 = arith.constant 0 : i32
    %ne3A_14 = arith.cmpi ne, %rem3A, %ne3A_13 : i32
    %and3A = arith.andi %ne3A, %ne3A_14 : i1
    %sub3A = arith.constant 1 : i32
    %sub3A_15 = arith.subi %div3A, %sub3A : i32
    %select_n3A = arith.select %and3A, %sub3A_15, %div3A : i32
    %jit3A_16 = arith.constant 16 : i32
    %eq3A = arith.constant 0 : i32
    %eq3A_17 = arith.cmpi eq, %jit3A_16, %eq3A : i32
    %jit3A_18 = arith.constant 1 : i32
    %select_n3A_19 = arith.select %eq3A_17, %jit3A_18, %jit3A_16 : i32
    %rem3A_20 = arith.remsi %arg0, %select_n3A_19 : i32
    %ne3A_21 = arith.constant 0 : i32
    %ne3A_22 = arith.cmpi ne, %rem3A_20, %ne3A_21 : i32
    %lt3A = arith.constant 0 : i32
    %lt3A_23 = arith.cmpi slt, %rem3A_20, %lt3A : i32
    %lt3A_24 = arith.constant 0 : i32
    %lt3A_25 = arith.cmpi slt, %select_n3A_19, %lt3A_24 : i32
    %ne3A_26 = arith.xori %lt3A_23, %lt3A_25 : i1
    %and3A_27 = arith.andi %ne3A_26, %ne3A_22 : i1
    %add3A = arith.addi %rem3A_20, %select_n3A_19 : i32
    %select_n3A_28 = arith.select %and3A_27, %add3A, %rem3A_20 : i32
    %c0_i32 = arith.constant 0 : i32
    %c0_i32_29 = arith.constant 0 : i32
    %c0_i32_30 = arith.constant 0 : i32
    %c0_i32_31 = arith.constant 0 : i32
    return %c0_i32, %select_n3A, %select_n3A_28, %c0_i32_29, %c0_i32_30 : i32, i32, i32, i32, i32
  }
  func.func @transform_1(%arg0: i32, %arg1: memref<4x256x2xi32, #tpu.memory_space<smem>>) -> (i32, i32, i32, i32, i32) {
    %get3A = arith.constant 0 : index
    %get3A_0 = arith.index_cast %arg0 : i32 to index
    %get3A_1 = arith.constant 0 : index
    %get3A_2 = memref.load %arg1[%get3A, %get3A_0, %get3A_1] : memref<4x256x2xi32, #tpu.memory_space<smem>>
    %jit3A = arith.constant 16 : i32
    %div3A = arith.divsi %get3A_2, %jit3A : i32
    %sign3A = arith.constant 0 : i32
    %sign3A_3 = arith.cmpi sgt, %get3A_2, %sign3A : i32
    %sign3A_4 = arith.extui %sign3A_3 : i1 to i32
    %sign3A_5 = arith.constant 0 : i32
    %sign3A_6 = arith.cmpi slt, %get3A_2, %sign3A_5 : i32
    %sign3A_7 = arith.extui %sign3A_6 : i1 to i32
    %sign3A_8 = arith.subi %sign3A_4, %sign3A_7 : i32
    %sign3A_9 = arith.constant 0 : i32
    %sign3A_10 = arith.cmpi sgt, %jit3A, %sign3A_9 : i32
    %sign3A_11 = arith.extui %sign3A_10 : i1 to i32
    %sign3A_12 = arith.constant 0 : i32
    %sign3A_13 = arith.cmpi slt, %jit3A, %sign3A_12 : i32
    %sign3A_14 = arith.extui %sign3A_13 : i1 to i32
    %sign3A_15 = arith.subi %sign3A_11, %sign3A_14 : i32
    %ne3A = arith.cmpi ne, %sign3A_8, %sign3A_15 : i32
    %rem3A = arith.remsi %get3A_2, %jit3A : i32
    %ne3A_16 = arith.constant 0 : i32
    %ne3A_17 = arith.cmpi ne, %rem3A, %ne3A_16 : i32
    %and3A = arith.andi %ne3A, %ne3A_17 : i1
    %sub3A = arith.constant 1 : i32
    %sub3A_18 = arith.subi %div3A, %sub3A : i32
    %select_n3A = arith.select %and3A, %sub3A_18, %div3A : i32
    %jit3A_19 = arith.constant 16 : i32
    %eq3A = arith.constant 0 : i32
    %eq3A_20 = arith.cmpi eq, %jit3A_19, %eq3A : i32
    %jit3A_21 = arith.constant 1 : i32
    %select_n3A_22 = arith.select %eq3A_20, %jit3A_21, %jit3A_19 : i32
    %rem3A_23 = arith.remsi %get3A_2, %select_n3A_22 : i32
    %ne3A_24 = arith.constant 0 : i32
    %ne3A_25 = arith.cmpi ne, %rem3A_23, %ne3A_24 : i32
    %lt3A = arith.constant 0 : i32
    %lt3A_26 = arith.cmpi slt, %rem3A_23, %lt3A : i32
    %lt3A_27 = arith.constant 0 : i32
    %lt3A_28 = arith.cmpi slt, %select_n3A_22, %lt3A_27 : i32
    %ne3A_29 = arith.xori %lt3A_26, %lt3A_28 : i1
    %and3A_30 = arith.andi %ne3A_29, %ne3A_25 : i1
    %add3A = arith.addi %rem3A_23, %select_n3A_22 : i32
    %select_n3A_31 = arith.select %and3A_30, %add3A, %rem3A_23 : i32
    %c0_i32 = arith.constant 0 : i32
    %c0_i32_32 = arith.constant 0 : i32
    %c0_i32_33 = arith.constant 0 : i32
    %c0_i32_34 = arith.constant 0 : i32
    return %c0_i32, %select_n3A, %select_n3A_31, %c0_i32_32, %c0_i32_33 : i32, i32, i32, i32, i32
  }
  func.func @transform_2(%arg0: i32, %arg1: memref<4x256x2xi32, #tpu.memory_space<smem>>) -> (i32, i32, i32, i32, i32) {
    %get3A = arith.constant 0 : index
    %get3A_0 = arith.index_cast %arg0 : i32 to index
    %get3A_1 = arith.constant 1 : index
    %get3A_2 = memref.load %arg1[%get3A, %get3A_0, %get3A_1] : memref<4x256x2xi32, #tpu.memory_space<smem>>
    %jit3A = arith.constant 16 : i32
    %div3A = arith.divsi %get3A_2, %jit3A : i32
    %sign3A = arith.constant 0 : i32
    %sign3A_3 = arith.cmpi sgt, %get3A_2, %sign3A : i32
    %sign3A_4 = arith.extui %sign3A_3 : i1 to i32
    %sign3A_5 = arith.constant 0 : i32
    %sign3A_6 = arith.cmpi slt, %get3A_2, %sign3A_5 : i32
    %sign3A_7 = arith.extui %sign3A_6 : i1 to i32
    %sign3A_8 = arith.subi %sign3A_4, %sign3A_7 : i32
    %sign3A_9 = arith.constant 0 : i32
    %sign3A_10 = arith.cmpi sgt, %jit3A, %sign3A_9 : i32
    %sign3A_11 = arith.extui %sign3A_10 : i1 to i32
    %sign3A_12 = arith.constant 0 : i32
    %sign3A_13 = arith.cmpi slt, %jit3A, %sign3A_12 : i32
    %sign3A_14 = arith.extui %sign3A_13 : i1 to i32
    %sign3A_15 = arith.subi %sign3A_11, %sign3A_14 : i32
    %ne3A = arith.cmpi ne, %sign3A_8, %sign3A_15 : i32
    %rem3A = arith.remsi %get3A_2, %jit3A : i32
    %ne3A_16 = arith.constant 0 : i32
    %ne3A_17 = arith.cmpi ne, %rem3A, %ne3A_16 : i32
    %and3A = arith.andi %ne3A, %ne3A_17 : i1
    %sub3A = arith.constant 1 : i32
    %sub3A_18 = arith.subi %div3A, %sub3A : i32
    %select_n3A = arith.select %and3A, %sub3A_18, %div3A : i32
    %jit3A_19 = arith.constant 16 : i32
    %eq3A = arith.constant 0 : i32
    %eq3A_20 = arith.cmpi eq, %jit3A_19, %eq3A : i32
    %jit3A_21 = arith.constant 1 : i32
    %select_n3A_22 = arith.select %eq3A_20, %jit3A_21, %jit3A_19 : i32
    %rem3A_23 = arith.remsi %get3A_2, %select_n3A_22 : i32
    %ne3A_24 = arith.constant 0 : i32
    %ne3A_25 = arith.cmpi ne, %rem3A_23, %ne3A_24 : i32
    %lt3A = arith.constant 0 : i32
    %lt3A_26 = arith.cmpi slt, %rem3A_23, %lt3A : i32
    %lt3A_27 = arith.constant 0 : i32
    %lt3A_28 = arith.cmpi slt, %select_n3A_22, %lt3A_27 : i32
    %ne3A_29 = arith.xori %lt3A_26, %lt3A_28 : i1
    %and3A_30 = arith.andi %ne3A_29, %ne3A_25 : i1
    %add3A = arith.addi %rem3A_23, %select_n3A_22 : i32
    %select_n3A_31 = arith.select %and3A_30, %add3A, %rem3A_23 : i32
    %c0_i32 = arith.constant 0 : i32
    %c0_i32_32 = arith.constant 0 : i32
    %c0_i32_33 = arith.constant 0 : i32
    %c0_i32_34 = arith.constant 0 : i32
    return %c0_i32, %select_n3A, %select_n3A_31, %c0_i32_32, %c0_i32_33 : i32, i32, i32, i32, i32
  }
  func.func @transform_3(%arg0: i32, %arg1: memref<4x256x2xi32, #tpu.memory_space<smem>>) -> (i32, i32, i32, i32, i32) {
    %get3A = arith.constant 1 : index
    %get3A_0 = arith.index_cast %arg0 : i32 to index
    %get3A_1 = arith.constant 0 : index
    %get3A_2 = memref.load %arg1[%get3A, %get3A_0, %get3A_1] : memref<4x256x2xi32, #tpu.memory_space<smem>>
    %jit3A = arith.constant 16 : i32
    %div3A = arith.divsi %get3A_2, %jit3A : i32
    %sign3A = arith.constant 0 : i32
    %sign3A_3 = arith.cmpi sgt, %get3A_2, %sign3A : i32
    %sign3A_4 = arith.extui %sign3A_3 : i1 to i32
    %sign3A_5 = arith.constant 0 : i32
    %sign3A_6 = arith.cmpi slt, %get3A_2, %sign3A_5 : i32
    %sign3A_7 = arith.extui %sign3A_6 : i1 to i32
    %sign3A_8 = arith.subi %sign3A_4, %sign3A_7 : i32
    %sign3A_9 = arith.constant 0 : i32
    %sign3A_10 = arith.cmpi sgt, %jit3A, %sign3A_9 : i32
    %sign3A_11 = arith.extui %sign3A_10 : i1 to i32
    %sign3A_12 = arith.constant 0 : i32
    %sign3A_13 = arith.cmpi slt, %jit3A, %sign3A_12 : i32
    %sign3A_14 = arith.extui %sign3A_13 : i1 to i32
    %sign3A_15 = arith.subi %sign3A_11, %sign3A_14 : i32
    %ne3A = arith.cmpi ne, %sign3A_8, %sign3A_15 : i32
    %rem3A = arith.remsi %get3A_2, %jit3A : i32
    %ne3A_16 = arith.constant 0 : i32
    %ne3A_17 = arith.cmpi ne, %rem3A, %ne3A_16 : i32
    %and3A = arith.andi %ne3A, %ne3A_17 : i1
    %sub3A = arith.constant 1 : i32
    %sub3A_18 = arith.subi %div3A, %sub3A : i32
    %select_n3A = arith.select %and3A, %sub3A_18, %div3A : i32
    %jit3A_19 = arith.constant 16 : i32
    %eq3A = arith.constant 0 : i32
    %eq3A_20 = arith.cmpi eq, %jit3A_19, %eq3A : i32
    %jit3A_21 = arith.constant 1 : i32
    %select_n3A_22 = arith.select %eq3A_20, %jit3A_21, %jit3A_19 : i32
    %rem3A_23 = arith.remsi %get3A_2, %select_n3A_22 : i32
    %ne3A_24 = arith.constant 0 : i32
    %ne3A_25 = arith.cmpi ne, %rem3A_23, %ne3A_24 : i32
    %lt3A = arith.constant 0 : i32
    %lt3A_26 = arith.cmpi slt, %rem3A_23, %lt3A : i32
    %lt3A_27 = arith.constant 0 : i32
    %lt3A_28 = arith.cmpi slt, %select_n3A_22, %lt3A_27 : i32
    %ne3A_29 = arith.xori %lt3A_26, %lt3A_28 : i1
    %and3A_30 = arith.andi %ne3A_29, %ne3A_25 : i1
    %add3A = arith.addi %rem3A_23, %select_n3A_22 : i32
    %select_n3A_31 = arith.select %and3A_30, %add3A, %rem3A_23 : i32
    %c1_i32 = arith.constant 1 : i32
    %c0_i32 = arith.constant 0 : i32
    %c0_i32_32 = arith.constant 0 : i32
    %c0_i32_33 = arith.constant 0 : i32
    return %c1_i32, %select_n3A, %select_n3A_31, %c0_i32, %c0_i32_32 : i32, i32, i32, i32, i32
  }
  func.func @transform_4(%arg0: i32, %arg1: memref<4x256x2xi32, #tpu.memory_space<smem>>) -> (i32, i32, i32, i32, i32) {
    %get3A = arith.constant 1 : index
    %get3A_0 = arith.index_cast %arg0 : i32 to index
    %get3A_1 = arith.constant 1 : index
    %get3A_2 = memref.load %arg1[%get3A, %get3A_0, %get3A_1] : memref<4x256x2xi32, #tpu.memory_space<smem>>
    %jit3A = arith.constant 16 : i32
    %div3A = arith.divsi %get3A_2, %jit3A : i32
    %sign3A = arith.constant 0 : i32
    %sign3A_3 = arith.cmpi sgt, %get3A_2, %sign3A : i32
    %sign3A_4 = arith.extui %sign3A_3 : i1 to i32
    %sign3A_5 = arith.constant 0 : i32
    %sign3A_6 = arith.cmpi slt, %get3A_2, %sign3A_5 : i32
    %sign3A_7 = arith.extui %sign3A_6 : i1 to i32
    %sign3A_8 = arith.subi %sign3A_4, %sign3A_7 : i32
    %sign3A_9 = arith.constant 0 : i32
    %sign3A_10 = arith.cmpi sgt, %jit3A, %sign3A_9 : i32
    %sign3A_11 = arith.extui %sign3A_10 : i1 to i32
    %sign3A_12 = arith.constant 0 : i32
    %sign3A_13 = arith.cmpi slt, %jit3A, %sign3A_12 : i32
    %sign3A_14 = arith.extui %sign3A_13 : i1 to i32
    %sign3A_15 = arith.subi %sign3A_11, %sign3A_14 : i32
    %ne3A = arith.cmpi ne, %sign3A_8, %sign3A_15 : i32
    %rem3A = arith.remsi %get3A_2, %jit3A : i32
    %ne3A_16 = arith.constant 0 : i32
    %ne3A_17 = arith.cmpi ne, %rem3A, %ne3A_16 : i32
    %and3A = arith.andi %ne3A, %ne3A_17 : i1
    %sub3A = arith.constant 1 : i32
    %sub3A_18 = arith.subi %div3A, %sub3A : i32
    %select_n3A = arith.select %and3A, %sub3A_18, %div3A : i32
    %jit3A_19 = arith.constant 16 : i32
    %eq3A = arith.constant 0 : i32
    %eq3A_20 = arith.cmpi eq, %jit3A_19, %eq3A : i32
    %jit3A_21 = arith.constant 1 : i32
    %select_n3A_22 = arith.select %eq3A_20, %jit3A_21, %jit3A_19 : i32
    %rem3A_23 = arith.remsi %get3A_2, %select_n3A_22 : i32
    %ne3A_24 = arith.constant 0 : i32
    %ne3A_25 = arith.cmpi ne, %rem3A_23, %ne3A_24 : i32
    %lt3A = arith.constant 0 : i32
    %lt3A_26 = arith.cmpi slt, %rem3A_23, %lt3A : i32
    %lt3A_27 = arith.constant 0 : i32
    %lt3A_28 = arith.cmpi slt, %select_n3A_22, %lt3A_27 : i32
    %ne3A_29 = arith.xori %lt3A_26, %lt3A_28 : i1
    %and3A_30 = arith.andi %ne3A_29, %ne3A_25 : i1
    %add3A = arith.addi %rem3A_23, %select_n3A_22 : i32
    %select_n3A_31 = arith.select %and3A_30, %add3A, %rem3A_23 : i32
    %c1_i32 = arith.constant 1 : i32
    %c0_i32 = arith.constant 0 : i32
    %c0_i32_32 = arith.constant 0 : i32
    %c0_i32_33 = arith.constant 0 : i32
    return %c1_i32, %select_n3A, %select_n3A_31, %c0_i32, %c0_i32_32 : i32, i32, i32, i32, i32
  }
  func.func @transform_5(%arg0: i32, %arg1: memref<4x256x2xi32, #tpu.memory_space<smem>>) -> (i32, i32, i32, i32, i32) {
    %get3A = arith.constant 2 : index
    %get3A_0 = arith.index_cast %arg0 : i32 to index
    %get3A_1 = arith.constant 0 : index
    %get3A_2 = memref.load %arg1[%get3A, %get3A_0, %get3A_1] : memref<4x256x2xi32, #tpu.memory_space<smem>>
    %jit3A = arith.constant 16 : i32
    %div3A = arith.divsi %get3A_2, %jit3A : i32
    %sign3A = arith.constant 0 : i32
    %sign3A_3 = arith.cmpi sgt, %get3A_2, %sign3A : i32
    %sign3A_4 = arith.extui %sign3A_3 : i1 to i32
    %sign3A_5 = arith.constant 0 : i32
    %sign3A_6 = arith.cmpi slt, %get3A_2, %sign3A_5 : i32
    %sign3A_7 = arith.extui %sign3A_6 : i1 to i32
    %sign3A_8 = arith.subi %sign3A_4, %sign3A_7 : i32
    %sign3A_9 = arith.constant 0 : i32
    %sign3A_10 = arith.cmpi sgt, %jit3A, %sign3A_9 : i32
    %sign3A_11 = arith.extui %sign3A_10 : i1 to i32
    %sign3A_12 = arith.constant 0 : i32
    %sign3A_13 = arith.cmpi slt, %jit3A, %sign3A_12 : i32
    %sign3A_14 = arith.extui %sign3A_13 : i1 to i32
    %sign3A_15 = arith.subi %sign3A_11, %sign3A_14 : i32
    %ne3A = arith.cmpi ne, %sign3A_8, %sign3A_15 : i32
    %rem3A = arith.remsi %get3A_2, %jit3A : i32
    %ne3A_16 = arith.constant 0 : i32
    %ne3A_17 = arith.cmpi ne, %rem3A, %ne3A_16 : i32
    %and3A = arith.andi %ne3A, %ne3A_17 : i1
    %sub3A = arith.constant 1 : i32
    %sub3A_18 = arith.subi %div3A, %sub3A : i32
    %select_n3A = arith.select %and3A, %sub3A_18, %div3A : i32
    %jit3A_19 = arith.constant 16 : i32
    %eq3A = arith.constant 0 : i32
    %eq3A_20 = arith.cmpi eq, %jit3A_19, %eq3A : i32
    %jit3A_21 = arith.constant 1 : i32
    %select_n3A_22 = arith.select %eq3A_20, %jit3A_21, %jit3A_19 : i32
    %rem3A_23 = arith.remsi %get3A_2, %select_n3A_22 : i32
    %ne3A_24 = arith.constant 0 : i32
    %ne3A_25 = arith.cmpi ne, %rem3A_23, %ne3A_24 : i32
    %lt3A = arith.constant 0 : i32
    %lt3A_26 = arith.cmpi slt, %rem3A_23, %lt3A : i32
    %lt3A_27 = arith.constant 0 : i32
    %lt3A_28 = arith.cmpi slt, %select_n3A_22, %lt3A_27 : i32
    %ne3A_29 = arith.xori %lt3A_26, %lt3A_28 : i1
    %and3A_30 = arith.andi %ne3A_29, %ne3A_25 : i1
    %add3A = arith.addi %rem3A_23, %select_n3A_22 : i32
    %select_n3A_31 = arith.select %and3A_30, %add3A, %rem3A_23 : i32
    %c2_i32 = arith.constant 2 : i32
    %c0_i32 = arith.constant 0 : i32
    %c0_i32_32 = arith.constant 0 : i32
    %c0_i32_33 = arith.constant 0 : i32
    return %c2_i32, %select_n3A, %select_n3A_31, %c0_i32, %c0_i32_32 : i32, i32, i32, i32, i32
  }
  func.func @transform_6(%arg0: i32, %arg1: memref<4x256x2xi32, #tpu.memory_space<smem>>) -> (i32, i32, i32, i32, i32) {
    %get3A = arith.constant 2 : index
    %get3A_0 = arith.index_cast %arg0 : i32 to index
    %get3A_1 = arith.constant 1 : index
    %get3A_2 = memref.load %arg1[%get3A, %get3A_0, %get3A_1] : memref<4x256x2xi32, #tpu.memory_space<smem>>
    %jit3A = arith.constant 16 : i32
    %div3A = arith.divsi %get3A_2, %jit3A : i32
    %sign3A = arith.constant 0 : i32
    %sign3A_3 = arith.cmpi sgt, %get3A_2, %sign3A : i32
    %sign3A_4 = arith.extui %sign3A_3 : i1 to i32
    %sign3A_5 = arith.constant 0 : i32
    %sign3A_6 = arith.cmpi slt, %get3A_2, %sign3A_5 : i32
    %sign3A_7 = arith.extui %sign3A_6 : i1 to i32
    %sign3A_8 = arith.subi %sign3A_4, %sign3A_7 : i32
    %sign3A_9 = arith.constant 0 : i32
    %sign3A_10 = arith.cmpi sgt, %jit3A, %sign3A_9 : i32
    %sign3A_11 = arith.extui %sign3A_10 : i1 to i32
    %sign3A_12 = arith.constant 0 : i32
    %sign3A_13 = arith.cmpi slt, %jit3A, %sign3A_12 : i32
    %sign3A_14 = arith.extui %sign3A_13 : i1 to i32
    %sign3A_15 = arith.subi %sign3A_11, %sign3A_14 : i32
    %ne3A = arith.cmpi ne, %sign3A_8, %sign3A_15 : i32
    %rem3A = arith.remsi %get3A_2, %jit3A : i32
    %ne3A_16 = arith.constant 0 : i32
    %ne3A_17 = arith.cmpi ne, %rem3A, %ne3A_16 : i32
    %and3A = arith.andi %ne3A, %ne3A_17 : i1
    %sub3A = arith.constant 1 : i32
    %sub3A_18 = arith.subi %div3A, %sub3A : i32
    %select_n3A = arith.select %and3A, %sub3A_18, %div3A : i32
    %jit3A_19 = arith.constant 16 : i32
    %eq3A = arith.constant 0 : i32
    %eq3A_20 = arith.cmpi eq, %jit3A_19, %eq3A : i32
    %jit3A_21 = arith.constant 1 : i32
    %select_n3A_22 = arith.select %eq3A_20, %jit3A_21, %jit3A_19 : i32
    %rem3A_23 = arith.remsi %get3A_2, %select_n3A_22 : i32
    %ne3A_24 = arith.constant 0 : i32
    %ne3A_25 = arith.cmpi ne, %rem3A_23, %ne3A_24 : i32
    %lt3A = arith.constant 0 : i32
    %lt3A_26 = arith.cmpi slt, %rem3A_23, %lt3A : i32
    %lt3A_27 = arith.constant 0 : i32
    %lt3A_28 = arith.cmpi slt, %select_n3A_22, %lt3A_27 : i32
    %ne3A_29 = arith.xori %lt3A_26, %lt3A_28 : i1
    %and3A_30 = arith.andi %ne3A_29, %ne3A_25 : i1
    %add3A = arith.addi %rem3A_23, %select_n3A_22 : i32
    %select_n3A_31 = arith.select %and3A_30, %add3A, %rem3A_23 : i32
    %c2_i32 = arith.constant 2 : i32
    %c0_i32 = arith.constant 0 : i32
    %c0_i32_32 = arith.constant 0 : i32
    %c0_i32_33 = arith.constant 0 : i32
    return %c2_i32, %select_n3A, %select_n3A_31, %c0_i32, %c0_i32_32 : i32, i32, i32, i32, i32
  }
  func.func @transform_7(%arg0: i32, %arg1: memref<4x256x2xi32, #tpu.memory_space<smem>>) -> (i32, i32, i32, i32, i32) {
    %get3A = arith.constant 3 : index
    %get3A_0 = arith.index_cast %arg0 : i32 to index
    %get3A_1 = arith.constant 0 : index
    %get3A_2 = memref.load %arg1[%get3A, %get3A_0, %get3A_1] : memref<4x256x2xi32, #tpu.memory_space<smem>>
    %jit3A = arith.constant 16 : i32
    %div3A = arith.divsi %get3A_2, %jit3A : i32
    %sign3A = arith.constant 0 : i32
    %sign3A_3 = arith.cmpi sgt, %get3A_2, %sign3A : i32
    %sign3A_4 = arith.extui %sign3A_3 : i1 to i32
    %sign3A_5 = arith.constant 0 : i32
    %sign3A_6 = arith.cmpi slt, %get3A_2, %sign3A_5 : i32
    %sign3A_7 = arith.extui %sign3A_6 : i1 to i32
    %sign3A_8 = arith.subi %sign3A_4, %sign3A_7 : i32
    %sign3A_9 = arith.constant 0 : i32
    %sign3A_10 = arith.cmpi sgt, %jit3A, %sign3A_9 : i32
    %sign3A_11 = arith.extui %sign3A_10 : i1 to i32
    %sign3A_12 = arith.constant 0 : i32
    %sign3A_13 = arith.cmpi slt, %jit3A, %sign3A_12 : i32
    %sign3A_14 = arith.extui %sign3A_13 : i1 to i32
    %sign3A_15 = arith.subi %sign3A_11, %sign3A_14 : i32
    %ne3A = arith.cmpi ne, %sign3A_8, %sign3A_15 : i32
    %rem3A = arith.remsi %get3A_2, %jit3A : i32
    %ne3A_16 = arith.constant 0 : i32
    %ne3A_17 = arith.cmpi ne, %rem3A, %ne3A_16 : i32
    %and3A = arith.andi %ne3A, %ne3A_17 : i1
    %sub3A = arith.constant 1 : i32
    %sub3A_18 = arith.subi %div3A, %sub3A : i32
    %select_n3A = arith.select %and3A, %sub3A_18, %div3A : i32
    %jit3A_19 = arith.constant 16 : i32
    %eq3A = arith.constant 0 : i32
    %eq3A_20 = arith.cmpi eq, %jit3A_19, %eq3A : i32
    %jit3A_21 = arith.constant 1 : i32
    %select_n3A_22 = arith.select %eq3A_20, %jit3A_21, %jit3A_19 : i32
    %rem3A_23 = arith.remsi %get3A_2, %select_n3A_22 : i32
    %ne3A_24 = arith.constant 0 : i32
    %ne3A_25 = arith.cmpi ne, %rem3A_23, %ne3A_24 : i32
    %lt3A = arith.constant 0 : i32
    %lt3A_26 = arith.cmpi slt, %rem3A_23, %lt3A : i32
    %lt3A_27 = arith.constant 0 : i32
    %lt3A_28 = arith.cmpi slt, %select_n3A_22, %lt3A_27 : i32
    %ne3A_29 = arith.xori %lt3A_26, %lt3A_28 : i1
    %and3A_30 = arith.andi %ne3A_29, %ne3A_25 : i1
    %add3A = arith.addi %rem3A_23, %select_n3A_22 : i32
    %select_n3A_31 = arith.select %and3A_30, %add3A, %rem3A_23 : i32
    %c3_i32 = arith.constant 3 : i32
    %c0_i32 = arith.constant 0 : i32
    %c0_i32_32 = arith.constant 0 : i32
    %c0_i32_33 = arith.constant 0 : i32
    return %c3_i32, %select_n3A, %select_n3A_31, %c0_i32, %c0_i32_32 : i32, i32, i32, i32, i32
  }
  func.func @transform_8(%arg0: i32, %arg1: memref<4x256x2xi32, #tpu.memory_space<smem>>) -> (i32, i32, i32, i32, i32) {
    %get3A = arith.constant 3 : index
    %get3A_0 = arith.index_cast %arg0 : i32 to index
    %get3A_1 = arith.constant 1 : index
    %get3A_2 = memref.load %arg1[%get3A, %get3A_0, %get3A_1] : memref<4x256x2xi32, #tpu.memory_space<smem>>
    %jit3A = arith.constant 16 : i32
    %div3A = arith.divsi %get3A_2, %jit3A : i32
    %sign3A = arith.constant 0 : i32
    %sign3A_3 = arith.cmpi sgt, %get3A_2, %sign3A : i32
    %sign3A_4 = arith.extui %sign3A_3 : i1 to i32
    %sign3A_5 = arith.constant 0 : i32
    %sign3A_6 = arith.cmpi slt, %get3A_2, %sign3A_5 : i32
    %sign3A_7 = arith.extui %sign3A_6 : i1 to i32
    %sign3A_8 = arith.subi %sign3A_4, %sign3A_7 : i32
    %sign3A_9 = arith.constant 0 : i32
    %sign3A_10 = arith.cmpi sgt, %jit3A, %sign3A_9 : i32
    %sign3A_11 = arith.extui %sign3A_10 : i1 to i32
    %sign3A_12 = arith.constant 0 : i32
    %sign3A_13 = arith.cmpi slt, %jit3A, %sign3A_12 : i32
    %sign3A_14 = arith.extui %sign3A_13 : i1 to i32
    %sign3A_15 = arith.subi %sign3A_11, %sign3A_14 : i32
    %ne3A = arith.cmpi ne, %sign3A_8, %sign3A_15 : i32
    %rem3A = arith.remsi %get3A_2, %jit3A : i32
    %ne3A_16 = arith.constant 0 : i32
    %ne3A_17 = arith.cmpi ne, %rem3A, %ne3A_16 : i32
    %and3A = arith.andi %ne3A, %ne3A_17 : i1
    %sub3A = arith.constant 1 : i32
    %sub3A_18 = arith.subi %div3A, %sub3A : i32
    %select_n3A = arith.select %and3A, %sub3A_18, %div3A : i32
    %jit3A_19 = arith.constant 16 : i32
    %eq3A = arith.constant 0 : i32
    %eq3A_20 = arith.cmpi eq, %jit3A_19, %eq3A : i32
    %jit3A_21 = arith.constant 1 : i32
    %select_n3A_22 = arith.select %eq3A_20, %jit3A_21, %jit3A_19 : i32
    %rem3A_23 = arith.remsi %get3A_2, %select_n3A_22 : i32
    %ne3A_24 = arith.constant 0 : i32
    %ne3A_25 = arith.cmpi ne, %rem3A_23, %ne3A_24 : i32
    %lt3A = arith.constant 0 : i32
    %lt3A_26 = arith.cmpi slt, %rem3A_23, %lt3A : i32
    %lt3A_27 = arith.constant 0 : i32
    %lt3A_28 = arith.cmpi slt, %select_n3A_22, %lt3A_27 : i32
    %ne3A_29 = arith.xori %lt3A_26, %lt3A_28 : i1
    %and3A_30 = arith.andi %ne3A_29, %ne3A_25 : i1
    %add3A = arith.addi %rem3A_23, %select_n3A_22 : i32
    %select_n3A_31 = arith.select %and3A_30, %add3A, %rem3A_23 : i32
    %c3_i32 = arith.constant 3 : i32
    %c0_i32 = arith.constant 0 : i32
    %c0_i32_32 = arith.constant 0 : i32
    %c0_i32_33 = arith.constant 0 : i32
    return %c3_i32, %select_n3A, %select_n3A_31, %c0_i32, %c0_i32_32 : i32, i32, i32, i32, i32
  }
  func.func @transform_9(%arg0: i32, %arg1: memref<4x256x2xi32, #tpu.memory_space<smem>>) -> (i32, i32, i32, i32, i32) {
    %get3A = arith.constant 0 : index
    %get3A_0 = arith.index_cast %arg0 : i32 to index
    %get3A_1 = arith.constant 0 : index
    %get3A_2 = memref.load %arg1[%get3A, %get3A_0, %get3A_1] : memref<4x256x2xi32, #tpu.memory_space<smem>>
    %jit3A = arith.constant 16 : i32
    %div3A = arith.divsi %get3A_2, %jit3A : i32
    %sign3A = arith.constant 0 : i32
    %sign3A_3 = arith.cmpi sgt, %get3A_2, %sign3A : i32
    %sign3A_4 = arith.extui %sign3A_3 : i1 to i32
    %sign3A_5 = arith.constant 0 : i32
    %sign3A_6 = arith.cmpi slt, %get3A_2, %sign3A_5 : i32
    %sign3A_7 = arith.extui %sign3A_6 : i1 to i32
    %sign3A_8 = arith.subi %sign3A_4, %sign3A_7 : i32
    %sign3A_9 = arith.constant 0 : i32
    %sign3A_10 = arith.cmpi sgt, %jit3A, %sign3A_9 : i32
    %sign3A_11 = arith.extui %sign3A_10 : i1 to i32
    %sign3A_12 = arith.constant 0 : i32
    %sign3A_13 = arith.cmpi slt, %jit3A, %sign3A_12 : i32
    %sign3A_14 = arith.extui %sign3A_13 : i1 to i32
    %sign3A_15 = arith.subi %sign3A_11, %sign3A_14 : i32
    %ne3A = arith.cmpi ne, %sign3A_8, %sign3A_15 : i32
    %rem3A = arith.remsi %get3A_2, %jit3A : i32
    %ne3A_16 = arith.constant 0 : i32
    %ne3A_17 = arith.cmpi ne, %rem3A, %ne3A_16 : i32
    %and3A = arith.andi %ne3A, %ne3A_17 : i1
    %sub3A = arith.constant 1 : i32
    %sub3A_18 = arith.subi %div3A, %sub3A : i32
    %select_n3A = arith.select %and3A, %sub3A_18, %div3A : i32
    %jit3A_19 = arith.constant 16 : i32
    %eq3A = arith.constant 0 : i32
    %eq3A_20 = arith.cmpi eq, %jit3A_19, %eq3A : i32
    %jit3A_21 = arith.constant 1 : i32
    %select_n3A_22 = arith.select %eq3A_20, %jit3A_21, %jit3A_19 : i32
    %rem3A_23 = arith.remsi %get3A_2, %select_n3A_22 : i32
    %ne3A_24 = arith.constant 0 : i32
    %ne3A_25 = arith.cmpi ne, %rem3A_23, %ne3A_24 : i32
    %lt3A = arith.constant 0 : i32
    %lt3A_26 = arith.cmpi slt, %rem3A_23, %lt3A : i32
    %lt3A_27 = arith.constant 0 : i32
    %lt3A_28 = arith.cmpi slt, %select_n3A_22, %lt3A_27 : i32
    %ne3A_29 = arith.xori %lt3A_26, %lt3A_28 : i1
    %and3A_30 = arith.andi %ne3A_29, %ne3A_25 : i1
    %add3A = arith.addi %rem3A_23, %select_n3A_22 : i32
    %select_n3A_31 = arith.select %and3A_30, %add3A, %rem3A_23 : i32
    %c0_i32 = arith.constant 0 : i32
    %c0_i32_32 = arith.constant 0 : i32
    %c0_i32_33 = arith.constant 0 : i32
    %c0_i32_34 = arith.constant 0 : i32
    return %c0_i32, %select_n3A, %select_n3A_31, %c0_i32_32, %c0_i32_33 : i32, i32, i32, i32, i32
  }
  func.func @transform_10(%arg0: i32, %arg1: memref<4x256x2xi32, #tpu.memory_space<smem>>) -> (i32, i32, i32, i32, i32) {
    %get3A = arith.constant 0 : index
    %get3A_0 = arith.index_cast %arg0 : i32 to index
    %get3A_1 = arith.constant 1 : index
    %get3A_2 = memref.load %arg1[%get3A, %get3A_0, %get3A_1] : memref<4x256x2xi32, #tpu.memory_space<smem>>
    %jit3A = arith.constant 16 : i32
    %div3A = arith.divsi %get3A_2, %jit3A : i32
    %sign3A = arith.constant 0 : i32
    %sign3A_3 = arith.cmpi sgt, %get3A_2, %sign3A : i32
    %sign3A_4 = arith.extui %sign3A_3 : i1 to i32
    %sign3A_5 = arith.constant 0 : i32
    %sign3A_6 = arith.cmpi slt, %get3A_2, %sign3A_5 : i32
    %sign3A_7 = arith.extui %sign3A_6 : i1 to i32
    %sign3A_8 = arith.subi %sign3A_4, %sign3A_7 : i32
    %sign3A_9 = arith.constant 0 : i32
    %sign3A_10 = arith.cmpi sgt, %jit3A, %sign3A_9 : i32
    %sign3A_11 = arith.extui %sign3A_10 : i1 to i32
    %sign3A_12 = arith.constant 0 : i32
    %sign3A_13 = arith.cmpi slt, %jit3A, %sign3A_12 : i32
    %sign3A_14 = arith.extui %sign3A_13 : i1 to i32
    %sign3A_15 = arith.subi %sign3A_11, %sign3A_14 : i32
    %ne3A = arith.cmpi ne, %sign3A_8, %sign3A_15 : i32
    %rem3A = arith.remsi %get3A_2, %jit3A : i32
    %ne3A_16 = arith.constant 0 : i32
    %ne3A_17 = arith.cmpi ne, %rem3A, %ne3A_16 : i32
    %and3A = arith.andi %ne3A, %ne3A_17 : i1
    %sub3A = arith.constant 1 : i32
    %sub3A_18 = arith.subi %div3A, %sub3A : i32
    %select_n3A = arith.select %and3A, %sub3A_18, %div3A : i32
    %jit3A_19 = arith.constant 16 : i32
    %eq3A = arith.constant 0 : i32
    %eq3A_20 = arith.cmpi eq, %jit3A_19, %eq3A : i32
    %jit3A_21 = arith.constant 1 : i32
    %select_n3A_22 = arith.select %eq3A_20, %jit3A_21, %jit3A_19 : i32
    %rem3A_23 = arith.remsi %get3A_2, %select_n3A_22 : i32
    %ne3A_24 = arith.constant 0 : i32
    %ne3A_25 = arith.cmpi ne, %rem3A_23, %ne3A_24 : i32
    %lt3A = arith.constant 0 : i32
    %lt3A_26 = arith.cmpi slt, %rem3A_23, %lt3A : i32
    %lt3A_27 = arith.constant 0 : i32
    %lt3A_28 = arith.cmpi slt, %select_n3A_22, %lt3A_27 : i32
    %ne3A_29 = arith.xori %lt3A_26, %lt3A_28 : i1
    %and3A_30 = arith.andi %ne3A_29, %ne3A_25 : i1
    %add3A = arith.addi %rem3A_23, %select_n3A_22 : i32
    %select_n3A_31 = arith.select %and3A_30, %add3A, %rem3A_23 : i32
    %c0_i32 = arith.constant 0 : i32
    %c0_i32_32 = arith.constant 0 : i32
    %c0_i32_33 = arith.constant 0 : i32
    %c0_i32_34 = arith.constant 0 : i32
    return %c0_i32, %select_n3A, %select_n3A_31, %c0_i32_32, %c0_i32_33 : i32, i32, i32, i32, i32
  }
  func.func @transform_11(%arg0: i32, %arg1: memref<4x256x2xi32, #tpu.memory_space<smem>>) -> (i32, i32, i32, i32, i32) {
    %get3A = arith.constant 1 : index
    %get3A_0 = arith.index_cast %arg0 : i32 to index
    %get3A_1 = arith.constant 0 : index
    %get3A_2 = memref.load %arg1[%get3A, %get3A_0, %get3A_1] : memref<4x256x2xi32, #tpu.memory_space<smem>>
    %jit3A = arith.constant 16 : i32
    %div3A = arith.divsi %get3A_2, %jit3A : i32
    %sign3A = arith.constant 0 : i32
    %sign3A_3 = arith.cmpi sgt, %get3A_2, %sign3A : i32
    %sign3A_4 = arith.extui %sign3A_3 : i1 to i32
    %sign3A_5 = arith.constant 0 : i32
    %sign3A_6 = arith.cmpi slt, %get3A_2, %sign3A_5 : i32
    %sign3A_7 = arith.extui %sign3A_6 : i1 to i32
    %sign3A_8 = arith.subi %sign3A_4, %sign3A_7 : i32
    %sign3A_9 = arith.constant 0 : i32
    %sign3A_10 = arith.cmpi sgt, %jit3A, %sign3A_9 : i32
    %sign3A_11 = arith.extui %sign3A_10 : i1 to i32
    %sign3A_12 = arith.constant 0 : i32
    %sign3A_13 = arith.cmpi slt, %jit3A, %sign3A_12 : i32
    %sign3A_14 = arith.extui %sign3A_13 : i1 to i32
    %sign3A_15 = arith.subi %sign3A_11, %sign3A_14 : i32
    %ne3A = arith.cmpi ne, %sign3A_8, %sign3A_15 : i32
    %rem3A = arith.remsi %get3A_2, %jit3A : i32
    %ne3A_16 = arith.constant 0 : i32
    %ne3A_17 = arith.cmpi ne, %rem3A, %ne3A_16 : i32
    %and3A = arith.andi %ne3A, %ne3A_17 : i1
    %sub3A = arith.constant 1 : i32
    %sub3A_18 = arith.subi %div3A, %sub3A : i32
    %select_n3A = arith.select %and3A, %sub3A_18, %div3A : i32
    %jit3A_19 = arith.constant 16 : i32
    %eq3A = arith.constant 0 : i32
    %eq3A_20 = arith.cmpi eq, %jit3A_19, %eq3A : i32
    %jit3A_21 = arith.constant 1 : i32
    %select_n3A_22 = arith.select %eq3A_20, %jit3A_21, %jit3A_19 : i32
    %rem3A_23 = arith.remsi %get3A_2, %select_n3A_22 : i32
    %ne3A_24 = arith.constant 0 : i32
    %ne3A_25 = arith.cmpi ne, %rem3A_23, %ne3A_24 : i32
    %lt3A = arith.constant 0 : i32
    %lt3A_26 = arith.cmpi slt, %rem3A_23, %lt3A : i32
    %lt3A_27 = arith.constant 0 : i32
    %lt3A_28 = arith.cmpi slt, %select_n3A_22, %lt3A_27 : i32
    %ne3A_29 = arith.xori %lt3A_26, %lt3A_28 : i1
    %and3A_30 = arith.andi %ne3A_29, %ne3A_25 : i1
    %add3A = arith.addi %rem3A_23, %select_n3A_22 : i32
    %select_n3A_31 = arith.select %and3A_30, %add3A, %rem3A_23 : i32
    %c1_i32 = arith.constant 1 : i32
    %c0_i32 = arith.constant 0 : i32
    %c0_i32_32 = arith.constant 0 : i32
    %c0_i32_33 = arith.constant 0 : i32
    return %c1_i32, %select_n3A, %select_n3A_31, %c0_i32, %c0_i32_32 : i32, i32, i32, i32, i32
  }
  func.func @transform_12(%arg0: i32, %arg1: memref<4x256x2xi32, #tpu.memory_space<smem>>) -> (i32, i32, i32, i32, i32) {
    %get3A = arith.constant 1 : index
    %get3A_0 = arith.index_cast %arg0 : i32 to index
    %get3A_1 = arith.constant 1 : index
    %get3A_2 = memref.load %arg1[%get3A, %get3A_0, %get3A_1] : memref<4x256x2xi32, #tpu.memory_space<smem>>
    %jit3A = arith.constant 16 : i32
    %div3A = arith.divsi %get3A_2, %jit3A : i32
    %sign3A = arith.constant 0 : i32
    %sign3A_3 = arith.cmpi sgt, %get3A_2, %sign3A : i32
    %sign3A_4 = arith.extui %sign3A_3 : i1 to i32
    %sign3A_5 = arith.constant 0 : i32
    %sign3A_6 = arith.cmpi slt, %get3A_2, %sign3A_5 : i32
    %sign3A_7 = arith.extui %sign3A_6 : i1 to i32
    %sign3A_8 = arith.subi %sign3A_4, %sign3A_7 : i32
    %sign3A_9 = arith.constant 0 : i32
    %sign3A_10 = arith.cmpi sgt, %jit3A, %sign3A_9 : i32
    %sign3A_11 = arith.extui %sign3A_10 : i1 to i32
    %sign3A_12 = arith.constant 0 : i32
    %sign3A_13 = arith.cmpi slt, %jit3A, %sign3A_12 : i32
    %sign3A_14 = arith.extui %sign3A_13 : i1 to i32
    %sign3A_15 = arith.subi %sign3A_11, %sign3A_14 : i32
    %ne3A = arith.cmpi ne, %sign3A_8, %sign3A_15 : i32
    %rem3A = arith.remsi %get3A_2, %jit3A : i32
    %ne3A_16 = arith.constant 0 : i32
    %ne3A_17 = arith.cmpi ne, %rem3A, %ne3A_16 : i32
    %and3A = arith.andi %ne3A, %ne3A_17 : i1
    %sub3A = arith.constant 1 : i32
    %sub3A_18 = arith.subi %div3A, %sub3A : i32
    %select_n3A = arith.select %and3A, %sub3A_18, %div3A : i32
    %jit3A_19 = arith.constant 16 : i32
    %eq3A = arith.constant 0 : i32
    %eq3A_20 = arith.cmpi eq, %jit3A_19, %eq3A : i32
    %jit3A_21 = arith.constant 1 : i32
    %select_n3A_22 = arith.select %eq3A_20, %jit3A_21, %jit3A_19 : i32
    %rem3A_23 = arith.remsi %get3A_2, %select_n3A_22 : i32
    %ne3A_24 = arith.constant 0 : i32
    %ne3A_25 = arith.cmpi ne, %rem3A_23, %ne3A_24 : i32
    %lt3A = arith.constant 0 : i32
    %lt3A_26 = arith.cmpi slt, %rem3A_23, %lt3A : i32
    %lt3A_27 = arith.constant 0 : i32
    %lt3A_28 = arith.cmpi slt, %select_n3A_22, %lt3A_27 : i32
    %ne3A_29 = arith.xori %lt3A_26, %lt3A_28 : i1
    %and3A_30 = arith.andi %ne3A_29, %ne3A_25 : i1
    %add3A = arith.addi %rem3A_23, %select_n3A_22 : i32
    %select_n3A_31 = arith.select %and3A_30, %add3A, %rem3A_23 : i32
    %c1_i32 = arith.constant 1 : i32
    %c0_i32 = arith.constant 0 : i32
    %c0_i32_32 = arith.constant 0 : i32
    %c0_i32_33 = arith.constant 0 : i32
    return %c1_i32, %select_n3A, %select_n3A_31, %c0_i32, %c0_i32_32 : i32, i32, i32, i32, i32
  }
  func.func @transform_13(%arg0: i32, %arg1: memref<4x256x2xi32, #tpu.memory_space<smem>>) -> (i32, i32, i32, i32, i32) {
    %get3A = arith.constant 2 : index
    %get3A_0 = arith.index_cast %arg0 : i32 to index
    %get3A_1 = arith.constant 0 : index
    %get3A_2 = memref.load %arg1[%get3A, %get3A_0, %get3A_1] : memref<4x256x2xi32, #tpu.memory_space<smem>>
    %jit3A = arith.constant 16 : i32
    %div3A = arith.divsi %get3A_2, %jit3A : i32
    %sign3A = arith.constant 0 : i32
    %sign3A_3 = arith.cmpi sgt, %get3A_2, %sign3A : i32
    %sign3A_4 = arith.extui %sign3A_3 : i1 to i32
    %sign3A_5 = arith.constant 0 : i32
    %sign3A_6 = arith.cmpi slt, %get3A_2, %sign3A_5 : i32
    %sign3A_7 = arith.extui %sign3A_6 : i1 to i32
    %sign3A_8 = arith.subi %sign3A_4, %sign3A_7 : i32
    %sign3A_9 = arith.constant 0 : i32
    %sign3A_10 = arith.cmpi sgt, %jit3A, %sign3A_9 : i32
    %sign3A_11 = arith.extui %sign3A_10 : i1 to i32
    %sign3A_12 = arith.constant 0 : i32
    %sign3A_13 = arith.cmpi slt, %jit3A, %sign3A_12 : i32
    %sign3A_14 = arith.extui %sign3A_13 : i1 to i32
    %sign3A_15 = arith.subi %sign3A_11, %sign3A_14 : i32
    %ne3A = arith.cmpi ne, %sign3A_8, %sign3A_15 : i32
    %rem3A = arith.remsi %get3A_2, %jit3A : i32
    %ne3A_16 = arith.constant 0 : i32
    %ne3A_17 = arith.cmpi ne, %rem3A, %ne3A_16 : i32
    %and3A = arith.andi %ne3A, %ne3A_17 : i1
    %sub3A = arith.constant 1 : i32
    %sub3A_18 = arith.subi %div3A, %sub3A : i32
    %select_n3A = arith.select %and3A, %sub3A_18, %div3A : i32
    %jit3A_19 = arith.constant 16 : i32
    %eq3A = arith.constant 0 : i32
    %eq3A_20 = arith.cmpi eq, %jit3A_19, %eq3A : i32
    %jit3A_21 = arith.constant 1 : i32
    %select_n3A_22 = arith.select %eq3A_20, %jit3A_21, %jit3A_19 : i32
    %rem3A_23 = arith.remsi %get3A_2, %select_n3A_22 : i32
    %ne3A_24 = arith.constant 0 : i32
    %ne3A_25 = arith.cmpi ne, %rem3A_23, %ne3A_24 : i32
    %lt3A = arith.constant 0 : i32
    %lt3A_26 = arith.cmpi slt, %rem3A_23, %lt3A : i32
    %lt3A_27 = arith.constant 0 : i32
    %lt3A_28 = arith.cmpi slt, %select_n3A_22, %lt3A_27 : i32
    %ne3A_29 = arith.xori %lt3A_26, %lt3A_28 : i1
    %and3A_30 = arith.andi %ne3A_29, %ne3A_25 : i1
    %add3A = arith.addi %rem3A_23, %select_n3A_22 : i32
    %select_n3A_31 = arith.select %and3A_30, %add3A, %rem3A_23 : i32
    %c2_i32 = arith.constant 2 : i32
    %c0_i32 = arith.constant 0 : i32
    %c0_i32_32 = arith.constant 0 : i32
    %c0_i32_33 = arith.constant 0 : i32
    return %c2_i32, %select_n3A, %select_n3A_31, %c0_i32, %c0_i32_32 : i32, i32, i32, i32, i32
  }
  func.func @transform_14(%arg0: i32, %arg1: memref<4x256x2xi32, #tpu.memory_space<smem>>) -> (i32, i32, i32, i32, i32) {
    %get3A = arith.constant 2 : index
    %get3A_0 = arith.index_cast %arg0 : i32 to index
    %get3A_1 = arith.constant 1 : index
    %get3A_2 = memref.load %arg1[%get3A, %get3A_0, %get3A_1] : memref<4x256x2xi32, #tpu.memory_space<smem>>
    %jit3A = arith.constant 16 : i32
    %div3A = arith.divsi %get3A_2, %jit3A : i32
    %sign3A = arith.constant 0 : i32
    %sign3A_3 = arith.cmpi sgt, %get3A_2, %sign3A : i32
    %sign3A_4 = arith.extui %sign3A_3 : i1 to i32
    %sign3A_5 = arith.constant 0 : i32
    %sign3A_6 = arith.cmpi slt, %get3A_2, %sign3A_5 : i32
    %sign3A_7 = arith.extui %sign3A_6 : i1 to i32
    %sign3A_8 = arith.subi %sign3A_4, %sign3A_7 : i32
    %sign3A_9 = arith.constant 0 : i32
    %sign3A_10 = arith.cmpi sgt, %jit3A, %sign3A_9 : i32
    %sign3A_11 = arith.extui %sign3A_10 : i1 to i32
    %sign3A_12 = arith.constant 0 : i32
    %sign3A_13 = arith.cmpi slt, %jit3A, %sign3A_12 : i32
    %sign3A_14 = arith.extui %sign3A_13 : i1 to i32
    %sign3A_15 = arith.subi %sign3A_11, %sign3A_14 : i32
    %ne3A = arith.cmpi ne, %sign3A_8, %sign3A_15 : i32
    %rem3A = arith.remsi %get3A_2, %jit3A : i32
    %ne3A_16 = arith.constant 0 : i32
    %ne3A_17 = arith.cmpi ne, %rem3A, %ne3A_16 : i32
    %and3A = arith.andi %ne3A, %ne3A_17 : i1
    %sub3A = arith.constant 1 : i32
    %sub3A_18 = arith.subi %div3A, %sub3A : i32
    %select_n3A = arith.select %and3A, %sub3A_18, %div3A : i32
    %jit3A_19 = arith.constant 16 : i32
    %eq3A = arith.constant 0 : i32
    %eq3A_20 = arith.cmpi eq, %jit3A_19, %eq3A : i32
    %jit3A_21 = arith.constant 1 : i32
    %select_n3A_22 = arith.select %eq3A_20, %jit3A_21, %jit3A_19 : i32
    %rem3A_23 = arith.remsi %get3A_2, %select_n3A_22 : i32
    %ne3A_24 = arith.constant 0 : i32
    %ne3A_25 = arith.cmpi ne, %rem3A_23, %ne3A_24 : i32
    %lt3A = arith.constant 0 : i32
    %lt3A_26 = arith.cmpi slt, %rem3A_23, %lt3A : i32
    %lt3A_27 = arith.constant 0 : i32
    %lt3A_28 = arith.cmpi slt, %select_n3A_22, %lt3A_27 : i32
    %ne3A_29 = arith.xori %lt3A_26, %lt3A_28 : i1
    %and3A_30 = arith.andi %ne3A_29, %ne3A_25 : i1
    %add3A = arith.addi %rem3A_23, %select_n3A_22 : i32
    %select_n3A_31 = arith.select %and3A_30, %add3A, %rem3A_23 : i32
    %c2_i32 = arith.constant 2 : i32
    %c0_i32 = arith.constant 0 : i32
    %c0_i32_32 = arith.constant 0 : i32
    %c0_i32_33 = arith.constant 0 : i32
    return %c2_i32, %select_n3A, %select_n3A_31, %c0_i32, %c0_i32_32 : i32, i32, i32, i32, i32
  }
  func.func @transform_15(%arg0: i32, %arg1: memref<4x256x2xi32, #tpu.memory_space<smem>>) -> (i32, i32, i32, i32, i32) {
    %get3A = arith.constant 3 : index
    %get3A_0 = arith.index_cast %arg0 : i32 to index
    %get3A_1 = arith.constant 0 : index
    %get3A_2 = memref.load %arg1[%get3A, %get3A_0, %get3A_1] : memref<4x256x2xi32, #tpu.memory_space<smem>>
    %jit3A = arith.constant 16 : i32
    %div3A = arith.divsi %get3A_2, %jit3A : i32
    %sign3A = arith.constant 0 : i32
    %sign3A_3 = arith.cmpi sgt, %get3A_2, %sign3A : i32
    %sign3A_4 = arith.extui %sign3A_3 : i1 to i32
    %sign3A_5 = arith.constant 0 : i32
    %sign3A_6 = arith.cmpi slt, %get3A_2, %sign3A_5 : i32
    %sign3A_7 = arith.extui %sign3A_6 : i1 to i32
    %sign3A_8 = arith.subi %sign3A_4, %sign3A_7 : i32
    %sign3A_9 = arith.constant 0 : i32
    %sign3A_10 = arith.cmpi sgt, %jit3A, %sign3A_9 : i32
    %sign3A_11 = arith.extui %sign3A_10 : i1 to i32
    %sign3A_12 = arith.constant 0 : i32
    %sign3A_13 = arith.cmpi slt, %jit3A, %sign3A_12 : i32
    %sign3A_14 = arith.extui %sign3A_13 : i1 to i32
    %sign3A_15 = arith.subi %sign3A_11, %sign3A_14 : i32
    %ne3A = arith.cmpi ne, %sign3A_8, %sign3A_15 : i32
    %rem3A = arith.remsi %get3A_2, %jit3A : i32
    %ne3A_16 = arith.constant 0 : i32
    %ne3A_17 = arith.cmpi ne, %rem3A, %ne3A_16 : i32
    %and3A = arith.andi %ne3A, %ne3A_17 : i1
    %sub3A = arith.constant 1 : i32
    %sub3A_18 = arith.subi %div3A, %sub3A : i32
    %select_n3A = arith.select %and3A, %sub3A_18, %div3A : i32
    %jit3A_19 = arith.constant 16 : i32
    %eq3A = arith.constant 0 : i32
    %eq3A_20 = arith.cmpi eq, %jit3A_19, %eq3A : i32
    %jit3A_21 = arith.constant 1 : i32
    %select_n3A_22 = arith.select %eq3A_20, %jit3A_21, %jit3A_19 : i32
    %rem3A_23 = arith.remsi %get3A_2, %select_n3A_22 : i32
    %ne3A_24 = arith.constant 0 : i32
    %ne3A_25 = arith.cmpi ne, %rem3A_23, %ne3A_24 : i32
    %lt3A = arith.constant 0 : i32
    %lt3A_26 = arith.cmpi slt, %rem3A_23, %lt3A : i32
    %lt3A_27 = arith.constant 0 : i32
    %lt3A_28 = arith.cmpi slt, %select_n3A_22, %lt3A_27 : i32
    %ne3A_29 = arith.xori %lt3A_26, %lt3A_28 : i1
    %and3A_30 = arith.andi %ne3A_29, %ne3A_25 : i1
    %add3A = arith.addi %rem3A_23, %select_n3A_22 : i32
    %select_n3A_31 = arith.select %and3A_30, %add3A, %rem3A_23 : i32
    %c3_i32 = arith.constant 3 : i32
    %c0_i32 = arith.constant 0 : i32
    %c0_i32_32 = arith.constant 0 : i32
    %c0_i32_33 = arith.constant 0 : i32
    return %c3_i32, %select_n3A, %select_n3A_31, %c0_i32, %c0_i32_32 : i32, i32, i32, i32, i32
  }
  func.func @transform_16(%arg0: i32, %arg1: memref<4x256x2xi32, #tpu.memory_space<smem>>) -> (i32, i32, i32, i32, i32) {
    %get3A = arith.constant 3 : index
    %get3A_0 = arith.index_cast %arg0 : i32 to index
    %get3A_1 = arith.constant 1 : index
    %get3A_2 = memref.load %arg1[%get3A, %get3A_0, %get3A_1] : memref<4x256x2xi32, #tpu.memory_space<smem>>
    %jit3A = arith.constant 16 : i32
    %div3A = arith.divsi %get3A_2, %jit3A : i32
    %sign3A = arith.constant 0 : i32
    %sign3A_3 = arith.cmpi sgt, %get3A_2, %sign3A : i32
    %sign3A_4 = arith.extui %sign3A_3 : i1 to i32
    %sign3A_5 = arith.constant 0 : i32
    %sign3A_6 = arith.cmpi slt, %get3A_2, %sign3A_5 : i32
    %sign3A_7 = arith.extui %sign3A_6 : i1 to i32
    %sign3A_8 = arith.subi %sign3A_4, %sign3A_7 : i32
    %sign3A_9 = arith.constant 0 : i32
    %sign3A_10 = arith.cmpi sgt, %jit3A, %sign3A_9 : i32
    %sign3A_11 = arith.extui %sign3A_10 : i1 to i32
    %sign3A_12 = arith.constant 0 : i32
    %sign3A_13 = arith.cmpi slt, %jit3A, %sign3A_12 : i32
    %sign3A_14 = arith.extui %sign3A_13 : i1 to i32
    %sign3A_15 = arith.subi %sign3A_11, %sign3A_14 : i32
    %ne3A = arith.cmpi ne, %sign3A_8, %sign3A_15 : i32
    %rem3A = arith.remsi %get3A_2, %jit3A : i32
    %ne3A_16 = arith.constant 0 : i32
    %ne3A_17 = arith.cmpi ne, %rem3A, %ne3A_16 : i32
    %and3A = arith.andi %ne3A, %ne3A_17 : i1
    %sub3A = arith.constant 1 : i32
    %sub3A_18 = arith.subi %div3A, %sub3A : i32
    %select_n3A = arith.select %and3A, %sub3A_18, %div3A : i32
    %jit3A_19 = arith.constant 16 : i32
    %eq3A = arith.constant 0 : i32
    %eq3A_20 = arith.cmpi eq, %jit3A_19, %eq3A : i32
    %jit3A_21 = arith.constant 1 : i32
    %select_n3A_22 = arith.select %eq3A_20, %jit3A_21, %jit3A_19 : i32
    %rem3A_23 = arith.remsi %get3A_2, %select_n3A_22 : i32
    %ne3A_24 = arith.constant 0 : i32
    %ne3A_25 = arith.cmpi ne, %rem3A_23, %ne3A_24 : i32
    %lt3A = arith.constant 0 : i32
    %lt3A_26 = arith.cmpi slt, %rem3A_23, %lt3A : i32
    %lt3A_27 = arith.constant 0 : i32
    %lt3A_28 = arith.cmpi slt, %select_n3A_22, %lt3A_27 : i32
    %ne3A_29 = arith.xori %lt3A_26, %lt3A_28 : i1
    %and3A_30 = arith.andi %ne3A_29, %ne3A_25 : i1
    %add3A = arith.addi %rem3A_23, %select_n3A_22 : i32
    %select_n3A_31 = arith.select %and3A_30, %add3A, %rem3A_23 : i32
    %c3_i32 = arith.constant 3 : i32
    %c0_i32 = arith.constant 0 : i32
    %c0_i32_32 = arith.constant 0 : i32
    %c0_i32_33 = arith.constant 0 : i32
    return %c3_i32, %select_n3A, %select_n3A_31, %c0_i32, %c0_i32_32 : i32, i32, i32, i32, i32
  }
  func.func @transform_17(%arg0: i32, %arg1: memref<4x256x2xi32, #tpu.memory_space<smem>>) -> (i32, i32, i32, i32, i32) {
    %jit3A = arith.constant 16 : i32
    %div3A = arith.divsi %arg0, %jit3A : i32
    %sign3A = arith.constant 0 : i32
    %sign3A_0 = arith.cmpi sgt, %arg0, %sign3A : i32
    %sign3A_1 = arith.extui %sign3A_0 : i1 to i32
    %sign3A_2 = arith.constant 0 : i32
    %sign3A_3 = arith.cmpi slt, %arg0, %sign3A_2 : i32
    %sign3A_4 = arith.extui %sign3A_3 : i1 to i32
    %sign3A_5 = arith.subi %sign3A_1, %sign3A_4 : i32
    %sign3A_6 = arith.constant 0 : i32
    %sign3A_7 = arith.cmpi sgt, %jit3A, %sign3A_6 : i32
    %sign3A_8 = arith.extui %sign3A_7 : i1 to i32
    %sign3A_9 = arith.constant 0 : i32
    %sign3A_10 = arith.cmpi slt, %jit3A, %sign3A_9 : i32
    %sign3A_11 = arith.extui %sign3A_10 : i1 to i32
    %sign3A_12 = arith.subi %sign3A_8, %sign3A_11 : i32
    %ne3A = arith.cmpi ne, %sign3A_5, %sign3A_12 : i32
    %rem3A = arith.remsi %arg0, %jit3A : i32
    %ne3A_13 = arith.constant 0 : i32
    %ne3A_14 = arith.cmpi ne, %rem3A, %ne3A_13 : i32
    %and3A = arith.andi %ne3A, %ne3A_14 : i1
    %sub3A = arith.constant 1 : i32
    %sub3A_15 = arith.subi %div3A, %sub3A : i32
    %select_n3A = arith.select %and3A, %sub3A_15, %div3A : i32
    %jit3A_16 = arith.constant 16 : i32
    %eq3A = arith.constant 0 : i32
    %eq3A_17 = arith.cmpi eq, %jit3A_16, %eq3A : i32
    %jit3A_18 = arith.constant 1 : i32
    %select_n3A_19 = arith.select %eq3A_17, %jit3A_18, %jit3A_16 : i32
    %rem3A_20 = arith.remsi %arg0, %select_n3A_19 : i32
    %ne3A_21 = arith.constant 0 : i32
    %ne3A_22 = arith.cmpi ne, %rem3A_20, %ne3A_21 : i32
    %lt3A = arith.constant 0 : i32
    %lt3A_23 = arith.cmpi slt, %rem3A_20, %lt3A : i32
    %lt3A_24 = arith.constant 0 : i32
    %lt3A_25 = arith.cmpi slt, %select_n3A_19, %lt3A_24 : i32
    %ne3A_26 = arith.xori %lt3A_23, %lt3A_25 : i1
    %and3A_27 = arith.andi %ne3A_26, %ne3A_22 : i1
    %add3A = arith.addi %rem3A_20, %select_n3A_19 : i32
    %select_n3A_28 = arith.select %and3A_27, %add3A, %rem3A_20 : i32
    %c0_i32 = arith.constant 0 : i32
    %c0_i32_29 = arith.constant 0 : i32
    %c0_i32_30 = arith.constant 0 : i32
    %c0_i32_31 = arith.constant 0 : i32
    return %c0_i32, %select_n3A, %select_n3A_28, %c0_i32_29, %c0_i32_30 : i32, i32, i32, i32, i32
  }
}

</mosaic_0001>

<sc_bundles>
// kernel: sparse-core-data-format-call.cloned.1.call-start
scs
called_computation_lowered:
.L_overlay_start_0:
0x0: {  	s1 =	sld [smem:$0x3FD9]  }
0x1: {  	s2 =	sld [smem:$0x3FFE];
	_ =	sdelay $0x1  }
0x2: {  	s3 =	srdreg.scid  }
0x3: {  	s0 =	sand.u32 $0x1, s3  }
0x4: {  	s17 =	sshll.u32 s0, $0xA;
	s1 =	sadd.s32 s2, s1  }
0x5: {  	s1 =	sadd.s32 s1, s17  }
0x6: {  	[smem:$0x3FC4] =	sst s1  }
0x7: {  	_ = 	snop  }
0x8: {  	(tm) =	ssettm $0x1  }
0x9: {  	s18 =	sld [smem:$0x3FFB];
	_ =	sdelay $0x3  }
0xa: {  	_ =	strace s18  }
0xb: {  	s1 =	sld [smem:$0x3FFC];
	_ =	sdelay $0x3  }
0xc: {  	_ =	strace s1  }
0xd: {  	s1 =	sld [smem:$0x3FFD];
	_ =	sdelay $0x3  }
0xe: {  	_ =	strace s1  }
0xf: {  	_ =	strace $0x8FFFFFFF  }
0x10: {  	s19 =	sld [smem:$0x3FDB];
	_ =	sdelay $0x1  }
0x11: {  	s20 =	simm.s32 $_scs_section_size  }
0x12: {  	s4 =	simm.s32 $_size__tile_overlayer_lowered;
	s5 =	simm.s32 $_tile_overlayer_lowered  }
0x13: {  	s23 =	simm.s32 $0x1BFF;
	s22 =	sshll.u32 s5, $0x1;
	s1 =	sadd.s32 s20, s19  }
0x14: {  	s6 =	simm.s32 $0x0;
	s21 =	sshll.u32 s4, $0x1;
	s4 =	sadd.s32 s22, s1  }
0x15: {  	[timem:s6], [sflag:s23] =	dma.local [hbm:s4], s21  }
0x16: {  	_ =	swait.ge [sflag:s23], s21  }
0x17: {  	s2 =	ssub.s32 $0x0, s21;
	[sflag:s23] =	ssyncset.done $0x0  }
0x18: {  	[sflag:s23] =	ssyncadd.s32 s2;
	_ =	sdelay $0x1  }
0x19: {  	s24 =	simm.s32 $0x1B8B  }
0x1a: {  	_ =	swait.ge [sflag:s24], $0x1  }
0x1b: {  	[sflag:s24] =	ssyncset.done $0x0  }
0x1c: {  	s26 =	simm.s32 $0x1B8E;
	s25 =	sld [smem:$0x3FFE];
	[sflag:s24] =	ssyncadd.s32 $0xFFFFFFFF  }
0x1d: {  	s27 =	simm.s32 $execute0_lowered;
	[smem:$0x3FD2] =	sst s26  }
0x1e: {  	s4 =	sshll.u32 s27, $0x1;
	_ =	strace $0x80000046;
	[dreg:$0x1] =	wrdreg $0xFFFFFFFF  }
0x1f: {  	s28 =	simm.s32 $_size_execute0_lowered;
	s1 =	sadd.s32 s1, s4;
	[dreg:$0x0] =	wrdreg $0x0  }
0x20: {  	s4 =	sshll.u32 s28, $0x1;
	[dreg:$0x2] =	wrdreg s1  }
0x21: {  	[dreg:$0x3] =	wrdreg s4  }
0x22: {  	[dreg:$0x4] =	wrdreg $0xC0  }
0x23: {  	_ =	task [dreg:s6], $0x5FFFF  }
0x24: {  	[dreg:$0x1] =	wrdreg $0xFFFFFFFF  }
0x25: {  	[dreg:$0x0] =	wrdreg $0x60  }
0x26: {  	[dreg:$0x2] =	wrdreg s25  }
0x27: {  	[dreg:$0x3] =	wrdreg $0x9  }
0x28: {  	_ =	task.clear_ibuf [dreg:s6], $0x4FFFF;
	_ =	strace $0x90000046  }
0x29: {  	s29 =	simm.s32 $0x9;
	_ =	strace $0x80000048  }
0x2a: {  	_ =	swait.ge [sflag:s29], $0x1  }
0x2b: {  	[sflag:s29] =	ssyncadd.s32 $0xFFFFFFFF  }
0x2c: {  	_ =	strace $0x90000048  }
0x2d: {  	_ =	sfence  }
0x2e: {  	s30 =	sld [smem:$0x0];
	_ =	sdelay $0x2  }
0x2f: {  	s31 =	sshll.u32 s3, $0xD;
	s3 =	sshrl.u32 s3, $0x2  }
0x30: {  	s2 =	sand.u32 $0x4000, s31;
	s1 =	sadd.s32 s3, s30  }
0x31: {  	s0 =	sor.u32 s2, s0;
	s1 =	sshll.u32 s1, $0x11  }
0x32: {  	s0 =	sor.u32 s1, s0  }
0x33: {  	s0 =	sadd.s32 $0x8F2B, s0  }
0x34: {  	[sflag:s0] =	ssyncadd.remote.s32 $0x1  }
0x35: {  	_ =	sfence.sel $0xFFFF  }
0x36: {  	[dreg:$0x0] =	wrdreg $0xFFFFFFFF;
	(pc) =	sbr.abs _section_cstart, $3  }
0x37: {  	[dreg:$0x1] =	wrdreg $0xFFFFFFFF  }
0x38: {  	_ =	task.clear_ibuf [dreg:s6], $0x2FFFF;
	_ =	strace $0x9FFFFFFF  }
0x39: {  	(tm) =	ssettm $0x7FFFFFFF  }
tec
execute0_lowered:
.L_overlay_start_1:
0x0: {  	(tag) =	ssettag $0x1  }
0x1: {  	s0 =	srdreg.scid;
	s1 =	rddreg [dreg:$0x0]  }
0x2: {  	s2 =	stileid.u32;
	_ =	strace $0x80000047;
	s12 =	simm.s32 $0x1  }
0x3: {  	s31 =	simm.s32 $0x2;
	p0 =	por $0x0, $0x0;
	s6 =	sadd.s32 $0x310600, s1  }
0x4: {  	s8 =	simm.s32 $0x0;
	s18 =	sadd.s32 $0x341600, s1;
	[dreg:$0x2] =	wrdreg s6  }
0x5: {  	s7 =	simm.s32 $0x0;
	s19 =	sadd.s32 $0x372600, s1;
	[dreg:$0x3] =	wrdreg s18  }
0x6: {  	s28 =	simm.s32 $0x0;
	s20 =	sadd.s32 $0x3A3600, s1;
	[dreg:$0x4] =	wrdreg s19  }
0x7: {  	s29 =	simm.s32 $0x0;
	s21 =	sadd.s32 $0x3D4600, s1;
	[dreg:$0x5] =	wrdreg s20  }
0x8: {  	s30 =	simm.s32 $0x0;
	s22 =	sadd.s32 $0x405600, s1;
	[dreg:$0x6] =	wrdreg s21  }
0x9: {  	s0 =	sshll.u32 s0, $0x4;
	s23 =	sadd.s32 $0x436600, s1;
	[dreg:$0x7] =	wrdreg s22  }
0xa: {  	s24 =	sadd.s32 $0x467600, s1;
	[sflag:s12] =	ssyncpa.u1 $0x0;
	[dreg:$0x8] =	wrdreg s23  }
0xb: {  	s25 =	sadd.s32 $0x498600, s1;
	s26 =	sadd.s32 $0x4C9600, s1;
	[dreg:$0x9] =	wrdreg s24  }
0xc: {  	s0 =	sand.u32 $0x10, s0;
	[dreg:$0xa] =	wrdreg s25;
	s18 =	sadd.s32 $0x52B600, s1  }
0xd: {  	[dreg:$0xb] =	wrdreg s26;
	s19 =	sadd.s32 $0x55C600, s1;
	s20 =	sadd.s32 $0x58D600, s1  }
0xe: {  	[sflag:s31] =	ssyncpa.u1 $0x0;
	s21 =	sadd.s32 $0x5BE600, s1;
	s22 =	sadd.s32 $0x5EF600, s1  }
0xf: {  	s24 =	simm.s32 $0x40;
	s0 =	sor.u32 s2, s0;
	s2 =	sand.u32 $0x1, s2  }
0x10: {  	s25 =	simm.s32 $0x80;
	s3 =	sshrl.u32 s0, $0x1;
	s17 =	ssub.s32 $0xE, s2  }
.Ltmp0:
0x11: {  	s5 =	sshrl.u32 s17, $0x1;
	s0 =	sand.u32 $0x1, s17;
	(pc) =	sbr.rel .LBB1_1-.Ltmp0, $4  }
0x12: {  	s26 =	simm.s32 $0x0;
	s4 =	sshll.u32 s3, $0x4;
	s0 =	sadd.s32 s0, s5  }
0x13: {  	s27 =	smov.u32 s2;
	s4 =	sadd.s32 s4, s1;
	s5 =	smul.u32 $0xE, s0  }
0x14: {  	s17 =	sadd.s32 $0x4FA600, s1;
	s1 =	simm.s32 $0x0;
	s6 =	sadd.s32 $0x600, s4  }
0x15: {  	s4 =	simm.s32 $0x0;
	s0 =	simm.s32 $0x0;
	s23 =	sor.u32 $0x1, s5  }
.LBB1_7:
0x16: {  	s9 =	sadd.s32 $0x1, s26  }
0x17: {  	s0 =	sadd.s32 $0x2, s27;
	s10 =	smov.u32 s27;
	p2 =	sgt.s32 s9, $0xD  }
0x18: {  	s10 =	smov.u32 @p2 s0  }
0x19: {  	s11 =	smov.u32 s28;
	s0 =	sadd.s32 $0x10, s28;
	p3 =	sgt.s32 s10, $0xD  }
0x1a: {  	s11 =	smov.u32 @p3 s0  }
0x1b: {  	s13 =	smov.u32 s29;
	s0 =	sadd.s32 $0x4, s29;
	p4 =	sgt.s32 s11, $0xF  }
0x1c: {  	p1 =	slt.u32 s30, $0x2;
	s8 =	smov.u32 s26;
	s13 =	smov.u32 @p4 s0  }
0x1d: {  	s1 =	smov.u32 s28;
	s9 =	simm.s32 @p2 $0x0;
	p2 =	sgt.s32 s13, $0x3  }
0x1e: {  	s4 =	simm.s32 @!p1 $0x2;
	s13 =	simm.s32 @p2 $0x0;
	p2 =	sne.s32 s30, s23  }
.Ltmp1:
0x1f: {  	s7 =	smov.u32 s29;
	_ =	swait.ge @!p1 [sflag:s4], $0x1000;
	(pc) =	sbr.rel @!p2 .LBB1_8-.Ltmp1, $4  }
0x20: {  	p0 =	por !p0, !p0;
	[sflag:s4] =	ssyncset.done @!p1 $0x0;
	s26 =	smov.u32 s9  }
0x21: {  	s10 =	smov.u32 @p3 s2;
	[sflag:s4] =	ssyncadd.s32 @!p1 $0xFFFFF000;
	s4 =	smov.u32 s3  }
0x22: {  	s11 =	simm.s32 @p4 $0x0;
	s0 =	smov.u32 s27;
	s27 =	smov.u32 s10  }
0x23: {  	s28 =	smov.u32 s11;
	s30 =	sadd.s32 $0x1, s30;
	s29 =	smov.u32 s13  }
.LBB1_1:
0x24: {  	p1 =	sge.u32 s30, s5  }
0x25: {  	s9 =	smul.u32 @!p1 $0xC4000, s29  }
0x26: {  	s10 =	smul.u32 @!p1 $0xC400, s28  }
0x27: {  	s11 =	sxor.u32 @!p1 $0xFFFFFFFF, s30;
	s13 =	smul.u32 @!p1 $0xE00, s27;
	s9 =	sadd.s32 @!p1 s9, s6  }
0x28: {  	s31 =	sadd.s32 $0xFFFFFFFF, s30;
	s11 =	sshll.u32 @!p1 s11, $0xC;
	s9 =	sadd.s32 @!p1 s10, s9  }
0x29: {  	s10 =	sand.u32 @!p1 $0x1000, s11;
	s11 =	sshll.u32 @!p1 s26, $0x8;
	s9 =	sadd.s32 @!p1 s13, s9  }
0x2a: {  	s13 =	simm.s32 @!p1 $0x62000;
	s9 =	sadd.s32 @!p1 s11, s9;
	s11 =	simm.s32 @!p1 $0x40  }
0x2b: {  	[tilespmem:s10], [sflag:$0x1] =	stream.strided.gather @!p1 [hbm4b:s9+s11], $0x1000, s13, s11, $0x38;
	[tilespmem:$0x4000] =	vst v63  }
0x2c: {  	p1 =	sge.u32 s31, s5  }
.Ltmp2:
0x2d: {  	_ = 	snop;
	(pc) =	sbr.rel @p1 .LBB1_7-.Ltmp2, $1  }
0x2e: {  	_ =	sdelay $0x3  }
0x2f: {  	s9 =	simm.s32 $0x1;
	_ =	swait.ge [sflag:s12], $0x1000  }
0x30: {  	s16 =	sshll.u32 s30, $0xC;
	s13 =	simm.s32 $0x0;
	s9 =	simm.s32 @!p0 $0x0  }
0x31: {  	[sflag:s12] =	ssyncset.done $0x0;
	s31 =	sand.u32 $0x1000, s16;
	s10 =	sshll.u32 s9, $0xC  }
0x32: {  	[sflag:s12] =	ssyncadd.s32 $0xFFFFF000;
	s9 =	sor.u32 $0x2000, s31;
	s14 =	sor.u32 $0x2020, s10  }
.LBB1_3:
0x33: {  	v0 =	vmov s10;
	_ =	sdelay $0x3  }
0x34: {  	s11 =	simm.s32 $0x0  }
0x35: {  	v3 =	vld.idx.msk [tilespmem:v0+s11+$0x30 ss:$0x1], $0xffff  }
0x36: {  	v4 =	vld.idx.msk [tilespmem:v0+s11+$0x0 ss:$0x1], $0xffff  }
0x37: {  	v1 =	vld.idx.msk [tilespmem:v0+s11+$0x10 ss:$0x1], $0xffff  }
0x38: {  	s15 =	simm.s32 $0x100;
	v2 =	vld.idx.msk [tilespmem:v0+s11+$0x20 ss:$0x1], $0xffff;
	s11 =	smov.u32 s14  }
.LBB1_4:
0x39: {  	s16 =	sshra.s32 s15, $0x2;
	p1 =	sne.s32 s15, $0xF00;
	s15 =	sadd.s32 $0x100, s15  }
.Ltmp3:
0x3a: {  	[tilespmem:s11+$0x10] =	vst v3;
	v3 =	vld.idx.msk [tilespmem:v0+s16+$0x30 ss:$0x1], $0xffff;
	(pc) =	sbr.rel @p1 .LBB1_4-.Ltmp3, $4  }
0x3b: {  	[tilespmem:s11+$0xFFFFFFE0] =	vst v4;
	v4 =	vld.idx.msk [tilespmem:v0+s16+$0x0 ss:$0x1], $0xffff  }
0x3c: {  	[tilespmem:s11+$0xFFFFFFF0] =	vst v1;
	v1 =	vld.idx.msk [tilespmem:v0+s16+$0x10 ss:$0x1], $0xffff  }
0x3d: {  	[tilespmem:s11+$0x0] =	vst v2;
	v2 =	vld.idx.msk [tilespmem:v0+s16+$0x20 ss:$0x1], $0xffff  }
0x3e: {  	s11 =	sadd.s32 $0x100, s11  }
0x3f: {  	s13 =	sadd.s32 $0x1, s13  }
0x40: {  	p1 =	sne.s32 s13, $0x4  }
.Ltmp4:
0x41: {  	_ = 	snop;
	(pc) =	sbr.rel @p1 .LBB1_3-.Ltmp4, $4  }
0x42: {  	[tilespmem:s11+$0x10] =	vst v3  }
0x43: {  	[tilespmem:s11+$0xFFFFFFE0] =	vst v4  }
0x44: {  	[tilespmem:s11+$0xFFFFFFF0] =	vst v1  }
0x45: {  	s14 =	sadd.s32 $0x40, s14;
	s10 =	sadd.s32 $0x400, s10;
	[tilespmem:s11+$0x0] =	vst v2  }
0x46: {  	s1 =	smul.u32 $0x31000, s1  }
0x47: {  	s0 =	smul.u32 $0x3800, s0;
	_ =	sdelay $0x1  }
0x48: {  	s7 =	sshll.u32 s7, $0x4;
	s11 =	rddreg [dreg:$0x2];
	s10 =	sadd.s32 s1, s0  }
0x49: {  	s7 =	sand.u32 $0x30, s7;
	s10 =	sadd.s32 s11, s10  }
0x4a: {  	s4 =	smul.u32 $0x380, s4;
	s8 =	sshll.u32 s8, $0x6;
	s10 =	sadd.s32 s7, s10  }
0x4b: {  	s10 =	sadd.s32 s8, s10  }
0x4c: {  	s13 =	rddreg [dreg:$0x3];
	s10 =	sadd.s32 s4, s10  }
0x4d: {  	[hbm4b:s10+s24] =	stream.strided.scatter [tilespmem:s9], [sflag:$0x2], $0x100, s25, s24, $0x38;
	[tilespmem:$0x4000] =	vst v63  }
0x4e: {  	s9 =	sadd.s32 s1, s13  }
0x4f: {  	s9 =	sadd.s32 s7, s9  }
0x50: {  	s9 =	sadd.s32 s0, s9  }
0x51: {  	s9 =	sadd.s32 s8, s9  }
0x52: {  	s14 =	sadd.s32 $0x2100, s31;
	s15 =	rddreg [dreg:$0x4];
	s9 =	sadd.s32 s4, s9  }
0x53: {  	[hbm4b:s9+s24] =	stream.strided.scatter [tilespmem:s14], [sflag:$0x2], $0x100, s25, s24, $0x38;
	[tilespmem:$0x4000] =	vst v63  }
0x54: {  	s9 =	sadd.s32 s1, s15  }
0x55: {  	s9 =	sadd.s32 s7, s9  }
0x56: {  	s9 =	sadd.s32 s0, s9  }
0x57: {  	s9 =	sadd.s32 s8, s9  }
0x58: {  	s16 =	sadd.s32 $0x2200, s31;
	s10 =	rddreg [dreg:$0x5];
	s9 =	sadd.s32 s4, s9  }
0x59: {  	[hbm4b:s9+s24] =	stream.strided.scatter [tilespmem:s16], [sflag:$0x2], $0x100, s25, s24, $0x38;
	[tilespmem:$0x4000] =	vst v63  }
0x5a: {  	s9 =	sadd.s32 s1, s10  }
0x5b: {  	s9 =	sadd.s32 s7, s9  }
0x5c: {  	s9 =	sadd.s32 s0, s9  }
0x5d: {  	s9 =	sadd.s32 s8, s9  }
0x5e: {  	s11 =	sadd.s32 $0x2300, s31;
	s13 =	rddreg [dreg:$0x6];
	s9 =	sadd.s32 s4, s9  }
0x5f: {  	[hbm4b:s9+s24] =	stream.strided.scatter [tilespmem:s11], [sflag:$0x2], $0x100, s25, s24, $0x38;
	[tilespmem:$0x4000] =	vst v63  }
0x60: {  	s9 =	sadd.s32 s1, s13  }
0x61: {  	s9 =	sadd.s32 s7, s9  }
0x62: {  	s9 =	sadd.s32 s0, s9  }
0x63: {  	s9 =	sadd.s32 s8, s9  }
0x64: {  	s14 =	sadd.s32 $0x2400, s31;
	s15 =	rddreg [dreg:$0x7];
	s9 =	sadd.s32 s4, s9  }
0x65: {  	[hbm4b:s9+s24] =	stream.strided.scatter [tilespmem:s14], [sflag:$0x2], $0x100, s25, s24, $0x38;
	[tilespmem:$0x4000] =	vst v63  }
0x66: {  	s9 =	sadd.s32 s1, s15  }
0x67: {  	s9 =	sadd.s32 s7, s9  }
0x68: {  	s9 =	sadd.s32 s0, s9  }
0x69: {  	s9 =	sadd.s32 s8, s9  }
0x6a: {  	s16 =	sadd.s32 $0x2500, s31;
	s10 =	rddreg [dreg:$0x8];
	s9 =	sadd.s32 s4, s9  }
0x6b: {  	[hbm4b:s9+s24] =	stream.strided.scatter [tilespmem:s16], [sflag:$0x2], $0x100, s25, s24, $0x38;
	[tilespmem:$0x4000] =	vst v63  }
0x6c: {  	s9 =	sadd.s32 s1, s10  }
0x6d: {  	s9 =	sadd.s32 s7, s9  }
0x6e: {  	s9 =	sadd.s32 s0, s9  }
0x6f: {  	s9 =	sadd.s32 s8, s9  }
0x70: {  	s11 =	sadd.s32 $0x2600, s31;
	s13 =	rddreg [dreg:$0x9];
	s9 =	sadd.s32 s4, s9  }
0x71: {  	[hbm4b:s9+s24] =	stream.strided.scatter [tilespmem:s11], [sflag:$0x2], $0x100, s25, s24, $0x38;
	[tilespmem:$0x4000] =	vst v63  }
0x72: {  	s9 =	sadd.s32 s1, s13  }
0x73: {  	s9 =	sadd.s32 s7, s9  }
0x74: {  	s9 =	sadd.s32 s0, s9  }
0x75: {  	s9 =	sadd.s32 s8, s9  }
0x76: {  	s14 =	sadd.s32 $0x2700, s31;
	s15 =	rddreg [dreg:$0xa];
	s9 =	sadd.s32 s4, s9  }
0x77: {  	[hbm4b:s9+s24] =	stream.strided.scatter [tilespmem:s14], [sflag:$0x2], $0x100, s25, s24, $0x38;
	[tilespmem:$0x4000] =	vst v63  }
0x78: {  	s9 =	sadd.s32 s1, s15  }
0x79: {  	s9 =	sadd.s32 s7, s9  }
0x7a: {  	s9 =	sadd.s32 s0, s9  }
0x7b: {  	s9 =	sadd.s32 s8, s9  }
0x7c: {  	s16 =	sadd.s32 $0x2800, s31;
	s10 =	rddreg [dreg:$0xb];
	s9 =	sadd.s32 s4, s9  }
0x7d: {  	[hbm4b:s9+s24] =	stream.strided.scatter [tilespmem:s16], [sflag:$0x2], $0x100, s25, s24, $0x38;
	[tilespmem:$0x4000] =	vst v63  }
0x7e: {  	s9 =	sadd.s32 s1, s10  }
0x7f: {  	s9 =	sadd.s32 s7, s9  }
0x80: {  	s9 =	sadd.s32 s0, s9  }
0x81: {  	s9 =	sadd.s32 s8, s9  }
0x82: {  	s11 =	sadd.s32 $0x2900, s31;
	s13 =	sadd.s32 s1, s17;
	s9 =	sadd.s32 s4, s9  }
0x83: {  	[hbm4b:s9+s24] =	stream.strided.scatter [tilespmem:s11], [sflag:$0x2], $0x100, s25, s24, $0x38;
	[tilespmem:$0x4000] =	vst v63  }
0x84: {  	s9 =	sadd.s32 s7, s13  }
0x85: {  	s9 =	sadd.s32 s0, s9  }
0x86: {  	s9 =	sadd.s32 s8, s9  }
0x87: {  	s14 =	sadd.s32 $0x2A00, s31;
	s15 =	sadd.s32 s1, s18;
	s9 =	sadd.s32 s4, s9  }
0x88: {  	[hbm4b:s9+s24] =	stream.strided.scatter [tilespmem:s14], [sflag:$0x2], $0x100, s25, s24, $0x38;
	[tilespmem:$0x4000] =	vst v63  }
0x89: {  	s9 =	sadd.s32 s7, s15  }
0x8a: {  	s9 =	sadd.s32 s0, s9  }
0x8b: {  	s9 =	sadd.s32 s8, s9  }
0x8c: {  	s16 =	sadd.s32 $0x2B00, s31;
	s10 =	sadd.s32 s1, s19;
	s9 =	sadd.s32 s4, s9  }
0x8d: {  	[hbm4b:s9+s24] =	stream.strided.scatter [tilespmem:s16], [sflag:$0x2], $0x100, s25, s24, $0x38;
	[tilespmem:$0x4000] =	vst v63  }
0x8e: {  	s9 =	sadd.s32 s7, s10  }
0x8f: {  	s9 =	sadd.s32 s0, s9  }
0x90: {  	s9 =	sadd.s32 s8, s9  }
0x91: {  	s11 =	sadd.s32 $0x2C00, s31;
	s13 =	sadd.s32 s1, s20;
	s9 =	sadd.s32 s4, s9  }
0x92: {  	[hbm4b:s9+s24] =	stream.strided.scatter [tilespmem:s11], [sflag:$0x2], $0x100, s25, s24, $0x38;
	[tilespmem:$0x4000] =	vst v63  }
0x93: {  	s9 =	sadd.s32 s7, s13  }
0x94: {  	s9 =	sadd.s32 s0, s9  }
0x95: {  	s9 =	sadd.s32 s8, s9  }
0x96: {  	s14 =	sadd.s32 $0x2D00, s31;
	s15 =	sadd.s32 s1, s21;
	s9 =	sadd.s32 s4, s9  }
0x97: {  	[hbm4b:s9+s24] =	stream.strided.scatter [tilespmem:s14], [sflag:$0x2], $0x100, s25, s24, $0x38;
	[tilespmem:$0x4000] =	vst v63  }
0x98: {  	s1 =	sadd.s32 s1, s22;
	s9 =	sadd.s32 s7, s15  }
0x99: {  	s1 =	sadd.s32 s7, s1;
	s9 =	sadd.s32 s0, s9  }
.Ltmp5:
0x9a: {  	s0 =	sadd.s32 s0, s1;
	s9 =	sadd.s32 s8, s9;
	(pc) =	sbr.rel .LBB1_7-.Ltmp5, $4  }
0x9b: {  	s16 =	sadd.s32 $0x2E00, s31;
	s0 =	sadd.s32 s8, s0;
	s9 =	sadd.s32 s4, s9  }
0x9c: {  	[hbm4b:s9+s24] =	stream.strided.scatter [tilespmem:s16], [sflag:$0x2], $0x100, s25, s24, $0x38;
	[tilespmem:$0x4000] =	vst v63  }
0x9d: {  	s31 =	sadd.s32 $0x2F00, s31;
	s0 =	sadd.s32 s4, s0  }
0x9e: {  	[hbm4b:s0+s24] =	stream.strided.scatter [tilespmem:s31], [sflag:$0x2], $0x100, s25, s24, $0x38;
	[tilespmem:$0x4000] =	vst v63  }
.LBB1_8:
0x9f: {  	_ =	sfence.sel $0x180000  }
0xa0: {  	s0 =	simm.s32 $0x1;
	[bflag:$0x0] =	sbarrier.arrive $0xFFFF  }
0xa1: {  	s30 =	simm.s32 $0x2;
	[sflag:s0] =	ssyncpa.u1 $0x1  }
0xa2: {  	[sflag:s30] =	ssyncpa.u1 $0x1  }
0xa3: {  	_ =	strace $0x90000047  }
0xa4: {  	s31 =	stileid.u32;
	[bflag:$0x2] =	sbarrier.arrive $0xFFFF  }
0xa5: {  	p0 =	sne.s32 s31, $0x0;
	s0 =	rddreg [dreg:$0x1]  }
0xa6: {  	s0 =	sadd.s32 @!p0 $0x100000, s0  }
0xa7: {  	[sflag:s0] =	ssyncadd.tile.s32 @!p0 $0x1;
	_ =	shalt  }
.Lfunc_end1:
_tile_overlayer_lowered:
.L_overlay_start_2:
0xa8: {  	(tag) =	ssettag $0x2  }
0xa9: {  	s0 =	rddreg [dreg:$0x0];
	s2 =	stileid.u32  }
0xaa: {  	s1 =	rddreg [dreg:$0x1];
	p0 =	sne.s32 s2, $0x0  }
0xab: {  	s3 =	rddreg [dreg:$0x2];
	[bflag:$0x3] =	sbarrier.arrive $0xFFFF;
	s2 =	simm.s32 @!p0 $0x1C01  }
0xac: {  	[timem:s3], [sflag:s2] =	dma.local @!p0 [hbm:s0], s1  }
0xad: {  	s0 =	simm.s32 @!p0 $0x1  }
0xae: {  	_ =	swait.ge @!p0 [sflag:s0], s1  }
0xaf: {  	s1 =	ssub.s32 @!p0 $0x0, s1;
	[sflag:s0] =	ssyncset.done @!p0 $0x0  }
0xb0: {  	[sflag:s0] =	ssyncadd.s32 @!p0 s1  }
0xb1: {  	[bflag:$0x3] =	sbarrier.arrive $0xFFFF  }
0xb2: {  	_ =	shalt  }

</sc_bundles>
